<compile_context>
chip_gen: v7x
topology: tpu7x:2x2x1
jax: 0.10.2.dev20260603
libtpu: 0.0.44.dev20260713+nightly
codegen_flags: <defaults>
</compile_context>

<pallas_src>
import jax
import jax.numpy as jnp
from jax import lax
from jax.experimental import pallas as pl
from jax.experimental.pallas import tpu as pltpu
from jax.experimental.pallas import tpu_sc as plsc

N = 10000
D = 256
DH = 128
E = 64000
NTILES = 16
CHUNK = 50
NCHUNK = (E // NTILES) // CHUNK
NMAIN = (NCHUNK - 2) // 3 * 3
ROWS_PT = N // NTILES
ZROWS = 25
ZCROWS = 125
CW = 16
NR = 3


def _sc_body(featL, featR, srcs, dsts, aggL, aggR, cnt,
             agg_sh, cnt_sh, src_v, dst_v, rows_a, rows_b, rows_c, ones_v,
             zero_v, zcnt_v, sga, sgb, sgc, ssa, ssb, ssc, scnt, semz):
  c = lax.axis_index("c")
  t = lax.axis_index("s")

  @pl.loop(0, ZCROWS)
  def _(i):
    zcnt_v[i, :] = jnp.zeros((16,), jnp.float32)

  @pl.loop(0, CHUNK)
  def _(i):
    ones_v[i, :] = jnp.ones((16,), jnp.float32)

  @pl.loop(0, ZROWS)
  def _(i):
    for c16 in range(DH // 16):
      zero_v[i, pl.ds(c16 * 16, 16)] = jnp.zeros((16,), jnp.float32)

  def chunk_loop(feat_hbm, counts):
    def fire_cnt(j):
      if counts:
        pltpu.async_copy(ones_v, cnt_sh.at[dst_v.at[j]], scnt, add=True)

    pltpu.async_copy(feat_hbm.at[src_v.at[0]], rows_a, sga)
    pltpu.async_copy(feat_hbm.at[src_v.at[1]], rows_b, sgb)

    @pl.loop(0, NMAIN, step=3)
    def _(j):
      @pl.when(j > 0)
      def _():
        pltpu.make_async_copy(rows_c, agg_sh.at[dst_v.at[j - 1]], ssc).wait()
      pltpu.make_async_copy(feat_hbm.at[src_v.at[j]], rows_a, sga).wait()
      pltpu.async_copy(rows_a, agg_sh.at[dst_v.at[j]], ssa, add=True)
      fire_cnt(j)
      pltpu.async_copy(feat_hbm.at[src_v.at[j + 2]], rows_c, sgc)
      pltpu.make_async_copy(feat_hbm.at[src_v.at[j + 1]], rows_b, sgb).wait()
      pltpu.async_copy(rows_b, agg_sh.at[dst_v.at[j + 1]], ssb, add=True)
      fire_cnt(j + 1)
      pltpu.make_async_copy(rows_a, agg_sh.at[dst_v.at[j]], ssa).wait()
      pltpu.async_copy(feat_hbm.at[src_v.at[j + 3]], rows_a, sga)
      pltpu.make_async_copy(feat_hbm.at[src_v.at[j + 2]], rows_c, sgc).wait()
      pltpu.async_copy(rows_c, agg_sh.at[dst_v.at[j + 2]], ssc, add=True)
      fire_cnt(j + 2)
      pltpu.make_async_copy(rows_b, agg_sh.at[dst_v.at[j + 1]], ssb).wait()
      pltpu.async_copy(feat_hbm.at[src_v.at[j + 4]], rows_b, sgb)

    pltpu.make_async_copy(rows_c, agg_sh.at[dst_v.at[NMAIN - 1]], ssc).wait()
    pltpu.make_async_copy(feat_hbm.at[src_v.at[NMAIN]], rows_a, sga).wait()
    pltpu.async_copy(rows_a, agg_sh.at[dst_v.at[NMAIN]], ssa, add=True)
    fire_cnt(NMAIN)
    pltpu.make_async_copy(feat_hbm.at[src_v.at[NMAIN + 1]], rows_b, sgb).wait()
    pltpu.async_copy(rows_b, agg_sh.at[dst_v.at[NMAIN + 1]], ssb, add=True)
    fire_cnt(NMAIN + 1)
    pltpu.make_async_copy(rows_a, agg_sh.at[dst_v.at[NMAIN]], ssa).wait()
    pltpu.make_async_copy(rows_b, agg_sh.at[dst_v.at[NMAIN + 1]], ssb).wait()

    if counts:
      @pl.loop(0, NCHUNK)
      def _(j):
        pltpu.make_async_copy(ones_v, cnt_sh.at[dst_v.at[j]], scnt).wait()

  @pl.loop(0, NR)
  def _(r):
    @pl.loop(0, ROWS_PT // ZROWS)
    def _(i):
      pltpu.async_copy(
          zero_v, agg_sh.at[pl.ds(t * ROWS_PT + i * ZROWS, ZROWS)], semz)

    @pl.when(c == 0)
    def _():
      @pl.loop(0, ROWS_PT // ZCROWS)
      def _(i):
        pltpu.async_copy(
            zcnt_v, cnt_sh.at[pl.ds(t * ROWS_PT + i * ZCROWS, ZCROWS)], semz)

    pltpu.sync_copy(srcs.at[r, t], src_v)
    pltpu.sync_copy(dsts.at[r, t], dst_v)

    @pl.loop(0, ROWS_PT // ZROWS)
    def _(i):
      pltpu.make_async_copy(
          zero_v, agg_sh.at[pl.ds(t * ROWS_PT + i * ZROWS, ZROWS)], semz).wait()

    @pl.when(c == 0)
    def _():
      @pl.loop(0, ROWS_PT // ZCROWS)
      def _(i):
        pltpu.make_async_copy(
            zcnt_v, cnt_sh.at[pl.ds(t * ROWS_PT + i * ZCROWS, ZCROWS)],
            semz).wait()

    plsc.subcore_barrier()

    @pl.when(c == 0)
    def _():
      chunk_loop(featL, True)

    @pl.when(c == 1)
    def _():
      chunk_loop(featR, False)

    plsc.subcore_barrier()

    rows = pl.ds(t * ROWS_PT, ROWS_PT)

    @pl.when(c == 0)
    def _():
      oa = pltpu.async_copy(agg_sh.at[rows], aggL.at[r].at[rows], sga)
      ob = pltpu.async_copy(cnt_sh.at[rows], cnt.at[r].at[rows], sgb)
      oa.wait()
      ob.wait()

    @pl.when(c == 1)
    def _():
      pltpu.sync_copy(agg_sh.at[rows], aggR.at[r].at[rows])


@jax.jit
def _sc_aggregate(featL, featR, srcs, dsts):
  out = [jax.ShapeDtypeStruct((NR, N, DH), jnp.float32),
         jax.ShapeDtypeStruct((NR, N, DH), jnp.float32),
         jax.ShapeDtypeStruct((NR, N, CW), jnp.float32)]
  scratch = [
      pltpu.MemorySpace.VMEM_SHARED((N, DH), jnp.float32),
      pltpu.MemorySpace.VMEM_SHARED((N, CW), jnp.float32),
      pltpu.MemorySpace.VMEM((NCHUNK, CHUNK), jnp.int32),
      pltpu.MemorySpace.VMEM((NCHUNK, CHUNK), jnp.int32),
      pltpu.MemorySpace.VMEM((CHUNK, DH), jnp.float32),
      pltpu.MemorySpace.VMEM((CHUNK, DH), jnp.float32),
      pltpu.MemorySpace.VMEM((CHUNK, DH), jnp.float32),
      pltpu.MemorySpace.VMEM((CHUNK, CW), jnp.float32),
      pltpu.MemorySpace.VMEM((ZROWS, DH), jnp.float32),
      pltpu.MemorySpace.VMEM((ZCROWS, CW), jnp.float32),
      pltpu.SemaphoreType.DMA,
      pltpu.SemaphoreType.DMA,
      pltpu.SemaphoreType.DMA,
      pltpu.SemaphoreType.DMA,
      pltpu.SemaphoreType.DMA,
      pltpu.SemaphoreType.DMA,
      pltpu.SemaphoreType.DMA,
      pltpu.SemaphoreType.DMA,
  ]
  mesh = plsc.VectorSubcoreMesh(core_axis_name="c", subcore_axis_name="s",
                                num_cores=2, num_subcores=16)
  return pl.kernel(
      _sc_body, out_type=out, mesh=mesh, scratch_types=scratch,
      compiler_params=pltpu.CompilerParams(use_tc_tiling_on_sc=False))(
      featL, featR, srcs, dsts)


BN = 1000


def _tc_body(feat_b, aL0, aR0, c0, aL1, aR1, c1, aL2, aR2, c2,
             W0b, WT0, WB0, WT1, WB1, WT2, WB2, b0b, br0, br1, br2, out):
  acc = jnp.dot(feat_b[...], W0b[...],
                preferred_element_type=jnp.float32) + b0b[...]
  for aL, aR, cn, WT, WB, br in (
      (aL0, aR0, c0, WT0, WB0, br0),
      (aL1, aR1, c1, WT1, WB1, br1),
      (aL2, aR2, c2, WT2, WB2, br2),
  ):
    cnt = cn[0, :, 0:1]
    inv = 1.0 / jnp.maximum(cnt, 1.0)
    acc += jnp.dot(aL[0] * inv, WT[...], preferred_element_type=jnp.float32)
    acc += jnp.dot(aR[0] * inv, WB[...], preferred_element_type=jnp.float32)
    acc += jnp.where(cnt > 0.0, 1.0, 0.0) * br[...]
  out[...] = acc


@jax.jit
def _tc_combine(feat, aggL, aggR, cnt, W0, WT0, WB0, WT1, WB1, WT2, WB2,
                b0, br0, br1, br2):
  full = lambda a: pl.BlockSpec(a.shape, lambda i: (0, 0))
  in_specs = [pl.BlockSpec((BN, D), lambda i: (i, 0))]
  args = [feat]
  for r in range(NR):
    in_specs += [pl.BlockSpec((1, BN, DH), lambda i, r=r: (r, i, 0)),
                 pl.BlockSpec((1, BN, DH), lambda i, r=r: (r, i, 0)),
                 pl.BlockSpec((1, BN, CW), lambda i, r=r: (r, i, 0))]
    args += [aggL, aggR, cnt]
  in_specs += [full(W0), full(WT0), full(WB0), full(WT1), full(WB1),
               full(WT2), full(WB2), full(b0), full(br0), full(br1), full(br2)]
  args += [W0, WT0, WB0, WT1, WB1, WT2, WB2, b0, br0, br1, br2]
  return pl.pallas_call(
      _tc_body,
      grid=(N // BN,),
      in_specs=in_specs,
      out_specs=pl.BlockSpec((BN, D), lambda i: (i, 0)),
      out_shape=jax.ShapeDtypeStruct((N, D), jnp.float32),
  )(*args)


def kernel(feat, edge_index_r0, edge_index_r1, edge_index_r2,
           W0, b0, W_r0, b_r0, W_r1, b_r1, W_r2, b_r2):
  featL = feat[:, :DH]
  featR = feat[:, DH:]
  ei = jnp.stack([edge_index_r0, edge_index_r1, edge_index_r2])
  ei = ei.reshape(NR, 2, NTILES, NCHUNK, CHUNK)
  srcs = ei[:, 0]
  dsts = ei[:, 1]

  aggL, aggR, cnt = _sc_aggregate(featL, featR, srcs, dsts)

  return _tc_combine(
      feat, aggL, aggR, cnt,
      W0, W_r0[:DH], W_r0[DH:], W_r1[:DH], W_r1[DH:], W_r2[:DH], W_r2[DH:],
      b0.reshape(1, D), b_r0.reshape(1, D), b_r1.reshape(1, D),
      b_r2.reshape(1, D))

# --- scband reference (transcript-rebuilt; emitter-appended) ---
"""Pipeline reference for scband-hetero-rgcnlayer-7129645711536 (READ-ONLY COPY).

The authoritative reference and input builder live on the scoring server;
editing this copy changes nothing except your own understanding.
"""

import jax, jax.numpy as jnp
import numpy as np

N = 10000
D = 256
E = 64000

def setup_inputs(seed: int = 0) -> dict:
    key = jax.random.key(seed)
    ks = jax.random.split(key, 12)
    feat = jax.random.normal(ks[0], (N, D), dtype=jnp.float32)
    edge_index_r0 = jax.random.randint(ks[1], (2, E), 0, N, dtype=jnp.int32)
    edge_index_r1 = jax.random.randint(ks[2], (2, E), 0, N, dtype=jnp.int32)
    edge_index_r2 = jax.random.randint(ks[3], (2, E), 0, N, dtype=jnp.int32)
    W0 = jax.random.normal(ks[4], (D, D), dtype=jnp.float32) * 0.02
    b0 = jnp.zeros((D,), dtype=jnp.float32)
    W_r0 = jax.random.normal(ks[5], (D, D), dtype=jnp.float32) * 0.02
    b_r0 = jnp.zeros((D,), dtype=jnp.float32)
    W_r1 = jax.random.normal(ks[6], (D, D), dtype=jnp.float32) * 0.02
    b_r1 = jnp.zeros((D,), dtype=jnp.float32)
    W_r2 = jax.random.normal(ks[7], (D, D), dtype=jnp.float32) * 0.02
    b_r2 = jnp.zeros((D,), dtype=jnp.float32)
    return {
        'feat': feat,
        'edge_index_r0': edge_index_r0,
        'edge_index_r1': edge_index_r1,
        'edge_index_r2': edge_index_r2,
        'W0': W0, 'b0': b0,
        'W_r0': W_r0, 'b_r0': b_r0,
        'W_r1': W_r1, 'b_r1': b_r1,
        'W_r2': W_r2, 'b_r2': b_r2,
    }

def _etype_mean(feat, W, b, edge_index):
    # Wh = weight[etype](feat); msg = copy_u(Wh); reduce = mean over incoming edges
    Wh = feat @ W + b
    src = edge_index[0]
    dst = edge_index[1]
    msgs = jnp.take(Wh, src, axis=0)
    s = jax.ops.segment_sum(msgs, dst, num_segments=N)
    cnt = jax.ops.segment_sum(jnp.ones((edge_index.shape[1],), dtype=jnp.float32), dst, num_segments=N)
    return s / jnp.maximum(cnt, 1.0)[:, None]

def reference(feat, edge_index_r0, edge_index_r1, edge_index_r2,
              W0, b0, W_r0, b_r0, W_r1, b_r1, W_r2, b_r2):
    # h0 = self.weight0(feat)
    h0 = feat @ W0 + b0
    # cross-type aggregation 'sum' over per-etype means, then apply: h = h + h0
    h = h0
    h = h + _etype_mean(feat, W_r0, b_r0, edge_index_r0)
    h = h + _etype_mean(feat, W_r1, b_r1, edge_index_r1)
    h = h + _etype_mean(feat, W_r2, b_r2, edge_index_r2)
    return h

if __name__ == "__main__":
    import jax
    _d = setup_inputs()
    print(jax.jit(kernel)(*tuple(_d.values())))

</pallas_src>

<mosaic_0001>
#map = affine_map<(d0, d1) -> (0, 0)>
#map1 = affine_map<(d0, d1) -> (0, 0, 0, 0)>
#map2 = affine_map<(d0, d1) -> (0, 0, 0)>
module attributes {stable_mosaic.version = 14 : i64} {
  func.func @_sc_body(%arg0: i32, %arg1: i32, %arg2: memref<10000x128xf32, #tpu.memory_space<hbm>>, %arg3: memref<10000x128xf32, #tpu.memory_space<hbm>>, %arg4: memref<3x16x80x50xi32, #tpu.memory_space<hbm>>, %arg5: memref<3x16x80x50xi32, #tpu.memory_space<hbm>>, %arg6: memref<3x10000x128xf32, #tpu.memory_space<hbm>>, %arg7: memref<3x10000x128xf32, #tpu.memory_space<hbm>>, %arg8: memref<3x10000x16xf32, #tpu.memory_space<hbm>>, %arg9: memref<10000x128xf32, #tpu.memory_space<vmem_shared>>, %arg10: memref<10000x16xf32, #tpu.memory_space<vmem_shared>>, %arg11: memref<80x50xi32, #tpu.memory_space<vmem>>, %arg12: memref<80x50xi32, #tpu.memory_space<vmem>>, %arg13: memref<50x128xf32, #tpu.memory_space<vmem>>, %arg14: memref<50x128xf32, #tpu.memory_space<vmem>>, %arg15: memref<50x128xf32, #tpu.memory_space<vmem>>, %arg16: memref<50x16xf32, #tpu.memory_space<vmem>>, %arg17: memref<25x128xf32, #tpu.memory_space<vmem>>, %arg18: memref<125x16xf32, #tpu.memory_space<vmem>>, %arg19: memref<!tpu.dma_semaphore, #tpu.memory_space<semaphore_mem>>, %arg20: memref<!tpu.dma_semaphore, #tpu.memory_space<semaphore_mem>>, %arg21: memref<!tpu.dma_semaphore, #tpu.memory_space<semaphore_mem>>, %arg22: memref<!tpu.dma_semaphore, #tpu.memory_space<semaphore_mem>>, %arg23: memref<!tpu.dma_semaphore, #tpu.memory_space<semaphore_mem>>, %arg24: memref<!tpu.dma_semaphore, #tpu.memory_space<semaphore_mem>>, %arg25: memref<!tpu.dma_semaphore, #tpu.memory_space<semaphore_mem>>, %arg26: memref<!tpu.dma_semaphore, #tpu.memory_space<semaphore_mem>>) attributes {dimension_semantics = [#tpu.dimension_semantics<core_parallel>, #tpu.dimension_semantics<subcore_parallel>], iteration_bounds = array<i64: 2, 16>, scalar_prefetch = 0 : i64, scratch_operands = 18 : i64, tpu.core_type = #tpu.core_type<sc_vector_subcore>, window_params = [{transform_indices = #map}, {transform_indices = #map}, {transform_indices = #map1}, {transform_indices = #map1}, {transform_indices = #map2}, {transform_indices = #map2}, {transform_indices = #map2}]} {
    %scan3A = arith.constant 0 : i32
    %scan3A_0 = arith.constant 125 : i32
    %scan3A_1 = arith.addi %scan3A, %scan3A_0 : i32
    %scan3A_2 = arith.constant 1 : i32
    scf.for %scan3A_19 = %scan3A to %scan3A_1 step %scan3A_2  : i32 {
      %mul3A = arith.constant 1 : i32
      %mul3A_20 = arith.muli %scan3A_19, %mul3A : i32
      %add3A = arith.constant 0 : i32
      %add3A_21 = arith.addi %add3A, %mul3A_20 : i32
      %broadcast_in_dim3A = arith.constant 0.000000e+00 : f32
      %broadcast_in_dim3A_22 = vector.broadcast %broadcast_in_dim3A : f32 to vector<16xf32>
      %swap3A = arith.index_cast %add3A_21 : i32 to index
      %swap3A_23 = arith.constant 0 : index
      %swap3A_24 = tpu.vector_load %arg18[%swap3A, %swap3A_23] {strides = array<i32>} : memref<125x16xf32, #tpu.memory_space<vmem>>, vector<1x16xf32>,
      %swap3A_25 = vector.shape_cast %swap3A_24 : vector<1x16xf32> to vector<16xf32>
      %swap3A_26 = vector.shape_cast %broadcast_in_dim3A_22 : vector<16xf32> to vector<1x16xf32>
      tpu.vector_store %arg18[%swap3A, %swap3A_23], %swap3A_26 {strides = array<i32>} : memref<125x16xf32, #tpu.memory_space<vmem>>, vector<1x16xf32>,
    }
    %scan3A_3 = arith.constant 125 : i32
    %scan3A_4 = arith.constant 0 : i32
    %scan3A_5 = arith.constant 50 : i32
    %scan3A_6 = arith.addi %scan3A_4, %scan3A_5 : i32
    %scan3A_7 = arith.constant 1 : i32
    scf.for %scan3A_19 = %scan3A_4 to %scan3A_6 step %scan3A_7  : i32 {
      %mul3A = arith.constant 1 : i32
      %mul3A_20 = arith.muli %scan3A_19, %mul3A : i32
      %add3A = arith.constant 0 : i32
      %add3A_21 = arith.addi %add3A, %mul3A_20 : i32
      %broadcast_in_dim3A = arith.constant 1.000000e+00 : f32
      %broadcast_in_dim3A_22 = vector.broadcast %broadcast_in_dim3A : f32 to vector<16xf32>
      %swap3A = arith.index_cast %add3A_21 : i32 to index
      %swap3A_23 = arith.constant 0 : index
      %swap3A_24 = tpu.vector_load %arg16[%swap3A, %swap3A_23] {strides = array<i32>} : memref<50x16xf32, #tpu.memory_space<vmem>>, vector<1x16xf32>,
      %swap3A_25 = vector.shape_cast %swap3A_24 : vector<1x16xf32> to vector<16xf32>
      %swap3A_26 = vector.shape_cast %broadcast_in_dim3A_22 : vector<16xf32> to vector<1x16xf32>
      tpu.vector_store %arg16[%swap3A, %swap3A_23], %swap3A_26 {strides = array<i32>} : memref<50x16xf32, #tpu.memory_space<vmem>>, vector<1x16xf32>,
    }
    %scan3A_8 = arith.constant 50 : i32
    %scan3A_9 = arith.constant 0 : i32
    %scan3A_10 = arith.constant 25 : i32
    %scan3A_11 = arith.addi %scan3A_9, %scan3A_10 : i32
    %scan3A_12 = arith.constant 1 : i32
    scf.for %scan3A_19 = %scan3A_9 to %scan3A_11 step %scan3A_12  : i32 {
      %mul3A = arith.constant 1 : i32
      %mul3A_20 = arith.muli %scan3A_19, %mul3A : i32
      %add3A = arith.constant 0 : i32
      %add3A_21 = arith.addi %add3A, %mul3A_20 : i32
      %broadcast_in_dim3A = arith.constant 0.000000e+00 : f32
      %broadcast_in_dim3A_22 = vector.broadcast %broadcast_in_dim3A : f32 to vector<16xf32>
      %swap3A = arith.index_cast %add3A_21 : i32 to index
      %swap3A_23 = arith.constant 0 : index
      %swap3A_24 = tpu.vector_load %arg17[%swap3A, %swap3A_23] {strides = array<i32>} : memref<25x128xf32, #tpu.memory_space<vmem>>, vector<1x16xf32>,
      %swap3A_25 = vector.shape_cast %swap3A_24 : vector<1x16xf32> to vector<16xf32>
      %swap3A_26 = vector.shape_cast %broadcast_in_dim3A_22 : vector<16xf32> to vector<1x16xf32>
      tpu.vector_store %arg17[%swap3A, %swap3A_23], %swap3A_26 {strides = array<i32>} : memref<25x128xf32, #tpu.memory_space<vmem>>, vector<1x16xf32>,
      %broadcast_in_dim3A_27 = arith.constant 0.000000e+00 : f32
      %broadcast_in_dim3A_28 = vector.broadcast %broadcast_in_dim3A_27 : f32 to vector<16xf32>
      %swap3A_29 = arith.index_cast %add3A_21 : i32 to index
      %swap3A_30 = arith.constant 16 : index
      %swap3A_31 = tpu.vector_load %arg17[%swap3A_29, %swap3A_30] {strides = array<i32>} : memref<25x128xf32, #tpu.memory_space<vmem>>, vector<1x16xf32>,
      %swap3A_32 = vector.shape_cast %swap3A_31 : vector<1x16xf32> to vector<16xf32>
      %swap3A_33 = vector.shape_cast %broadcast_in_dim3A_28 : vector<16xf32> to vector<1x16xf32>
      tpu.vector_store %arg17[%swap3A_29, %swap3A_30], %swap3A_33 {strides = array<i32>} : memref<25x128xf32, #tpu.memory_space<vmem>>, vector<1x16xf32>,
      %broadcast_in_dim3A_34 = arith.constant 0.000000e+00 : f32
      %broadcast_in_dim3A_35 = vector.broadcast %broadcast_in_dim3A_34 : f32 to vector<16xf32>
      %swap3A_36 = arith.index_cast %add3A_21 : i32 to index
      %swap3A_37 = arith.constant 32 : index
      %swap3A_38 = tpu.vector_load %arg17[%swap3A_36, %swap3A_37] {strides = array<i32>} : memref<25x128xf32, #tpu.memory_space<vmem>>, vector<1x16xf32>,
      %swap3A_39 = vector.shape_cast %swap3A_38 : vector<1x16xf32> to vector<16xf32>
      %swap3A_40 = vector.shape_cast %broadcast_in_dim3A_35 : vector<16xf32> to vector<1x16xf32>
      tpu.vector_store %arg17[%swap3A_36, %swap3A_37], %swap3A_40 {strides = array<i32>} : memref<25x128xf32, #tpu.memory_space<vmem>>, vector<1x16xf32>,
      %broadcast_in_dim3A_41 = arith.constant 0.000000e+00 : f32
      %broadcast_in_dim3A_42 = vector.broadcast %broadcast_in_dim3A_41 : f32 to vector<16xf32>
      %swap3A_43 = arith.index_cast %add3A_21 : i32 to index
      %swap3A_44 = arith.constant 48 : index
      %swap3A_45 = tpu.vector_load %arg17[%swap3A_43, %swap3A_44] {strides = array<i32>} : memref<25x128xf32, #tpu.memory_space<vmem>>, vector<1x16xf32>,
      %swap3A_46 = vector.shape_cast %swap3A_45 : vector<1x16xf32> to vector<16xf32>
      %swap3A_47 = vector.shape_cast %broadcast_in_dim3A_42 : vector<16xf32> to vector<1x16xf32>
      tpu.vector_store %arg17[%swap3A_43, %swap3A_44], %swap3A_47 {strides = array<i32>} : memref<25x128xf32, #tpu.memory_space<vmem>>, vector<1x16xf32>,
      %broadcast_in_dim3A_48 = arith.constant 0.000000e+00 : f32
      %broadcast_in_dim3A_49 = vector.broadcast %broadcast_in_dim3A_48 : f32 to vector<16xf32>
      %swap3A_50 = arith.index_cast %add3A_21 : i32 to index
      %swap3A_51 = arith.constant 64 : index
      %swap3A_52 = tpu.vector_load %arg17[%swap3A_50, %swap3A_51] {strides = array<i32>} : memref<25x128xf32, #tpu.memory_space<vmem>>, vector<1x16xf32>,
      %swap3A_53 = vector.shape_cast %swap3A_52 : vector<1x16xf32> to vector<16xf32>
      %swap3A_54 = vector.shape_cast %broadcast_in_dim3A_49 : vector<16xf32> to vector<1x16xf32>
      tpu.vector_store %arg17[%swap3A_50, %swap3A_51], %swap3A_54 {strides = array<i32>} : memref<25x128xf32, #tpu.memory_space<vmem>>, vector<1x16xf32>,
      %broadcast_in_dim3A_55 = arith.constant 0.000000e+00 : f32
      %broadcast_in_dim3A_56 = vector.broadcast %broadcast_in_dim3A_55 : f32 to vector<16xf32>
      %swap3A_57 = arith.index_cast %add3A_21 : i32 to index
      %swap3A_58 = arith.constant 80 : index
      %swap3A_59 = tpu.vector_load %arg17[%swap3A_57, %swap3A_58] {strides = array<i32>} : memref<25x128xf32, #tpu.memory_space<vmem>>, vector<1x16xf32>,
      %swap3A_60 = vector.shape_cast %swap3A_59 : vector<1x16xf32> to vector<16xf32>
      %swap3A_61 = vector.shape_cast %broadcast_in_dim3A_56 : vector<16xf32> to vector<1x16xf32>
      tpu.vector_store %arg17[%swap3A_57, %swap3A_58], %swap3A_61 {strides = array<i32>} : memref<25x128xf32, #tpu.memory_space<vmem>>, vector<1x16xf32>,
      %broadcast_in_dim3A_62 = arith.constant 0.000000e+00 : f32
      %broadcast_in_dim3A_63 = vector.broadcast %broadcast_in_dim3A_62 : f32 to vector<16xf32>
      %swap3A_64 = arith.index_cast %add3A_21 : i32 to index
      %swap3A_65 = arith.constant 96 : index
      %swap3A_66 = tpu.vector_load %arg17[%swap3A_64, %swap3A_65] {strides = array<i32>} : memref<25x128xf32, #tpu.memory_space<vmem>>, vector<1x16xf32>,
      %swap3A_67 = vector.shape_cast %swap3A_66 : vector<1x16xf32> to vector<16xf32>
      %swap3A_68 = vector.shape_cast %broadcast_in_dim3A_63 : vector<16xf32> to vector<1x16xf32>
      tpu.vector_store %arg17[%swap3A_64, %swap3A_65], %swap3A_68 {strides = array<i32>} : memref<25x128xf32, #tpu.memory_space<vmem>>, vector<1x16xf32>,
      %broadcast_in_dim3A_69 = arith.constant 0.000000e+00 : f32
      %broadcast_in_dim3A_70 = vector.broadcast %broadcast_in_dim3A_69 : f32 to vector<16xf32>
      %swap3A_71 = arith.index_cast %add3A_21 : i32 to index
      %swap3A_72 = arith.constant 112 : index
      %swap3A_73 = tpu.vector_load %arg17[%swap3A_71, %swap3A_72] {strides = array<i32>} : memref<25x128xf32, #tpu.memory_space<vmem>>, vector<1x16xf32>,
      %swap3A_74 = vector.shape_cast %swap3A_73 : vector<1x16xf32> to vector<16xf32>
      %swap3A_75 = vector.shape_cast %broadcast_in_dim3A_70 : vector<16xf32> to vector<1x16xf32>
      tpu.vector_store %arg17[%swap3A_71, %swap3A_72], %swap3A_75 {strides = array<i32>} : memref<25x128xf32, #tpu.memory_space<vmem>>, vector<1x16xf32>,
    }
    %scan3A_13 = arith.constant 25 : i32
    %scan3A_14 = arith.constant 0 : i32
    %scan3A_15 = arith.constant 3 : i32
    %scan3A_16 = arith.addi %scan3A_14, %scan3A_15 : i32
    %scan3A_17 = arith.constant 1 : i32
    scf.for %scan3A_19 = %scan3A_14 to %scan3A_16 step %scan3A_17  : i32 {
      %mul3A = arith.constant 1 : i32
      %mul3A_20 = arith.muli %scan3A_19, %mul3A : i32
      %add3A = arith.constant 0 : i32
      %add3A_21 = arith.addi %add3A, %mul3A_20 : i32
      %scan3A_22 = arith.constant 0 : i32
      %scan3A_23 = arith.constant 25 : i32
      %scan3A_24 = arith.addi %scan3A_22, %scan3A_23 : i32
      %scan3A_25 = arith.constant 1 : i32
      scf.for %scan3A_62 = %scan3A_22 to %scan3A_24 step %scan3A_25  : i32 {
        %mul3A_63 = arith.constant 1 : i32
        %mul3A_64 = arith.muli %scan3A_62, %mul3A_63 : i32
        %add3A_65 = arith.constant 0 : i32
        %add3A_66 = arith.addi %add3A_65, %mul3A_64 : i32
        %mul3A_67 = arith.constant 625 : i32
        %mul3A_68 = arith.muli %arg1, %mul3A_67 : i32
        %mul3A_69 = arith.constant 25 : i32
        %mul3A_70 = arith.muli %add3A_66, %mul3A_69 : i32
        %add3A_71 = arith.addi %mul3A_68, %mul3A_70 : i32
        %dma_start3A = arith.constant 0 : i32
        %dma_start3A_72 = tpu.memref_slice %arg9[%add3A_71, %dma_start3A] : memref<10000x128xf32, #tpu.memory_space<vmem_shared>> -> memref<25x128xf32, #tpu.memory_space<vmem_shared>>
        %dma_start3A_73 = arith.constant 0 : i32
        %dma_start3A_74 = tpu.memref_slice %arg9[%add3A_71, %dma_start3A_73] : memref<10000x128xf32, #tpu.memory_space<vmem_shared>> -> memref<25x128xf32, #tpu.memory_space<vmem_shared>>
        tpu.enqueue_dma source(%arg17 : memref<25x128xf32, #tpu.memory_space<vmem>>) target(%dma_start3A_74 : memref<25x128xf32, #tpu.memory_space<vmem_shared>>) target_semaphore(%arg26 : memref<!tpu.dma_semaphore, #tpu.memory_space<semaphore_mem>>)
      }
      %scan3A_26 = arith.constant 25 : i32
      %eq3A = arith.constant 0 : i32
      %eq3A_27 = arith.cmpi eq, %arg0, %eq3A : i32
      %convert_element_type3A = arith.extui %eq3A_27 : i1 to i32
      %cond3A = arith.constant 0 : i32
      %cond3A_28 = arith.cmpi ne, %convert_element_type3A, %cond3A : i32
      scf.if %cond3A_28 {
        %scan3A_62 = arith.constant 0 : i32
        %scan3A_63 = arith.constant 5 : i32
        %scan3A_64 = arith.addi %scan3A_62, %scan3A_63 : i32
        %scan3A_65 = arith.constant 1 : i32
        scf.for %scan3A_67 = %scan3A_62 to %scan3A_64 step %scan3A_65  : i32 {
          %mul3A_68 = arith.constant 1 : i32
          %mul3A_69 = arith.muli %scan3A_67, %mul3A_68 : i32
          %add3A_70 = arith.constant 0 : i32
          %add3A_71 = arith.addi %add3A_70, %mul3A_69 : i32
          %mul3A_72 = arith.constant 625 : i32
          %mul3A_73 = arith.muli %arg1, %mul3A_72 : i32
          %mul3A_74 = arith.constant 125 : i32
          %mul3A_75 = arith.muli %add3A_71, %mul3A_74 : i32
          %add3A_76 = arith.addi %mul3A_73, %mul3A_75 : i32
          %dma_start3A = arith.constant 0 : i32
          %dma_start3A_77 = tpu.memref_slice %arg10[%add3A_76, %dma_start3A] : memref<10000x16xf32, #tpu.memory_space<vmem_shared>> -> memref<125x16xf32, #tpu.memory_space<vmem_shared>>
          %dma_start3A_78 = arith.constant 0 : i32
          %dma_start3A_79 = tpu.memref_slice %arg10[%add3A_76, %dma_start3A_78] : memref<10000x16xf32, #tpu.memory_space<vmem_shared>> -> memref<125x16xf32, #tpu.memory_space<vmem_shared>>
          tpu.enqueue_dma source(%arg18 : memref<125x16xf32, #tpu.memory_space<vmem>>) target(%dma_start3A_79 : memref<125x16xf32, #tpu.memory_space<vmem_shared>>) target_semaphore(%arg26 : memref<!tpu.dma_semaphore, #tpu.memory_space<semaphore_mem>>)
        }
        %scan3A_66 = arith.constant 5 : i32
      } else {
      }
      "tpu.region"() ({
        %run_scoped3A = tpu.sem_alloc : memref<!tpu.dma_semaphore, #tpu.memory_space<semaphore_mem>>
        %dma_start3A = arith.constant 0 : i32
        %dma_start3A_62 = arith.constant 0 : i32
        %dma_start3A_63 = tpu.memref_slice %arg4[%add3A_21, %arg1, %dma_start3A, %dma_start3A_62] : memref<3x16x80x50xi32, #tpu.memory_space<hbm>> -> memref<1x1x80x50xi32, #tpu.memory_space<hbm>>
        %dma_start3A_64 = tpu.memref_squeeze %dma_start3A_63 : memref<1x1x80x50xi32, #tpu.memory_space<hbm>> -> memref<80x50xi32, #tpu.memory_space<hbm>>
        %dma_start3A_65 = arith.constant 0 : i32
        %dma_start3A_66 = arith.constant 0 : i32
        %dma_start3A_67 = tpu.memref_slice %arg4[%add3A_21, %arg1, %dma_start3A_65, %dma_start3A_66] : memref<3x16x80x50xi32, #tpu.memory_space<hbm>> -> memref<1x1x80x50xi32, #tpu.memory_space<hbm>>
        %dma_start3A_68 = tpu.memref_squeeze %dma_start3A_67 : memref<1x1x80x50xi32, #tpu.memory_space<hbm>> -> memref<80x50xi32, #tpu.memory_space<hbm>>
        tpu.enqueue_dma source(%dma_start3A_68 : memref<80x50xi32, #tpu.memory_space<hbm>>) target(%arg11 : memref<80x50xi32, #tpu.memory_space<vmem>>) target_semaphore(%run_scoped3A : memref<!tpu.dma_semaphore, #tpu.memory_space<semaphore_mem>>)
        %dma_wait3A = arith.constant 0 : i32
        %dma_wait3A_69 = arith.constant 0 : i32
        %dma_wait3A_70 = tpu.memref_slice %arg4[%add3A_21, %arg1, %dma_wait3A, %dma_wait3A_69] : memref<3x16x80x50xi32, #tpu.memory_space<hbm>> -> memref<1x1x80x50xi32, #tpu.memory_space<hbm>>
        %dma_wait3A_71 = tpu.memref_squeeze %dma_wait3A_70 : memref<1x1x80x50xi32, #tpu.memory_space<hbm>> -> memref<80x50xi32, #tpu.memory_space<hbm>>
        %dma_wait3A_72 = arith.constant 0 : i32
        %dma_wait3A_73 = arith.constant 0 : i32
        %dma_wait3A_74 = tpu.memref_slice %arg4[%add3A_21, %arg1, %dma_wait3A_72, %dma_wait3A_73] : memref<3x16x80x50xi32, #tpu.memory_space<hbm>> -> memref<1x1x80x50xi32, #tpu.memory_space<hbm>>
        %dma_wait3A_75 = tpu.memref_squeeze %dma_wait3A_74 : memref<1x1x80x50xi32, #tpu.memory_space<hbm>> -> memref<80x50xi32, #tpu.memory_space<hbm>>
        tpu.wait_dma2 semaphore(%run_scoped3A : memref<!tpu.dma_semaphore, #tpu.memory_space<semaphore_mem>>) src(%dma_wait3A_75 : memref<80x50xi32, #tpu.memory_space<hbm>>) dst(%arg11 : memref<80x50xi32, #tpu.memory_space<vmem>>)
        tpu.yield
      }) : () -> ()
      "tpu.region"() ({
        %run_scoped3A = tpu.sem_alloc : memref<!tpu.dma_semaphore, #tpu.memory_space<semaphore_mem>>
        %dma_start3A = arith.constant 0 : i32
        %dma_start3A_62 = arith.constant 0 : i32
        %dma_start3A_63 = tpu.memref_slice %arg5[%add3A_21, %arg1, %dma_start3A, %dma_start3A_62] : memref<3x16x80x50xi32, #tpu.memory_space<hbm>> -> memref<1x1x80x50xi32, #tpu.memory_space<hbm>>
        %dma_start3A_64 = tpu.memref_squeeze %dma_start3A_63 : memref<1x1x80x50xi32, #tpu.memory_space<hbm>> -> memref<80x50xi32, #tpu.memory_space<hbm>>
        %dma_start3A_65 = arith.constant 0 : i32
        %dma_start3A_66 = arith.constant 0 : i32
        %dma_start3A_67 = tpu.memref_slice %arg5[%add3A_21, %arg1, %dma_start3A_65, %dma_start3A_66] : memref<3x16x80x50xi32, #tpu.memory_space<hbm>> -> memref<1x1x80x50xi32, #tpu.memory_space<hbm>>
        %dma_start3A_68 = tpu.memref_squeeze %dma_start3A_67 : memref<1x1x80x50xi32, #tpu.memory_space<hbm>> -> memref<80x50xi32, #tpu.memory_space<hbm>>
        tpu.enqueue_dma source(%dma_start3A_68 : memref<80x50xi32, #tpu.memory_space<hbm>>) target(%arg12 : memref<80x50xi32, #tpu.memory_space<vmem>>) target_semaphore(%run_scoped3A : memref<!tpu.dma_semaphore, #tpu.memory_space<semaphore_mem>>)
        %dma_wait3A = arith.constant 0 : i32
        %dma_wait3A_69 = arith.constant 0 : i32
        %dma_wait3A_70 = tpu.memref_slice %arg5[%add3A_21, %arg1, %dma_wait3A, %dma_wait3A_69] : memref<3x16x80x50xi32, #tpu.memory_space<hbm>> -> memref<1x1x80x50xi32, #tpu.memory_space<hbm>>
        %dma_wait3A_71 = tpu.memref_squeeze %dma_wait3A_70 : memref<1x1x80x50xi32, #tpu.memory_space<hbm>> -> memref<80x50xi32, #tpu.memory_space<hbm>>
        %dma_wait3A_72 = arith.constant 0 : i32
        %dma_wait3A_73 = arith.constant 0 : i32
        %dma_wait3A_74 = tpu.memref_slice %arg5[%add3A_21, %arg1, %dma_wait3A_72, %dma_wait3A_73] : memref<3x16x80x50xi32, #tpu.memory_space<hbm>> -> memref<1x1x80x50xi32, #tpu.memory_space<hbm>>
        %dma_wait3A_75 = tpu.memref_squeeze %dma_wait3A_74 : memref<1x1x80x50xi32, #tpu.memory_space<hbm>> -> memref<80x50xi32, #tpu.memory_space<hbm>>
        tpu.wait_dma2 semaphore(%run_scoped3A : memref<!tpu.dma_semaphore, #tpu.memory_space<semaphore_mem>>) src(%dma_wait3A_75 : memref<80x50xi32, #tpu.memory_space<hbm>>) dst(%arg12 : memref<80x50xi32, #tpu.memory_space<vmem>>)
        tpu.yield
      }) : () -> ()
      %scan3A_29 = arith.constant 0 : i32
      %scan3A_30 = arith.constant 25 : i32
      %scan3A_31 = arith.addi %scan3A_29, %scan3A_30 : i32
      %scan3A_32 = arith.constant 1 : i32
      scf.for %scan3A_62 = %scan3A_29 to %scan3A_31 step %scan3A_32  : i32 {
        %mul3A_63 = arith.constant 1 : i32
        %mul3A_64 = arith.muli %scan3A_62, %mul3A_63 : i32
        %add3A_65 = arith.constant 0 : i32
        %add3A_66 = arith.addi %add3A_65, %mul3A_64 : i32
        %mul3A_67 = arith.constant 625 : i32
        %mul3A_68 = arith.muli %arg1, %mul3A_67 : i32
        %mul3A_69 = arith.constant 25 : i32
        %mul3A_70 = arith.muli %add3A_66, %mul3A_69 : i32
        %add3A_71 = arith.addi %mul3A_68, %mul3A_70 : i32
        %dma_wait3A = arith.constant 0 : i32
        %dma_wait3A_72 = tpu.memref_slice %arg9[%add3A_71, %dma_wait3A] : memref<10000x128xf32, #tpu.memory_space<vmem_shared>> -> memref<25x128xf32, #tpu.memory_space<vmem_shared>>
        %dma_wait3A_73 = arith.constant 0 : i32
        %dma_wait3A_74 = tpu.memref_slice %arg9[%add3A_71, %dma_wait3A_73] : memref<10000x128xf32, #tpu.memory_space<vmem_shared>> -> memref<25x128xf32, #tpu.memory_space<vmem_shared>>
        tpu.wait_dma2 semaphore(%arg26 : memref<!tpu.dma_semaphore, #tpu.memory_space<semaphore_mem>>) src(%arg17 : memref<25x128xf32, #tpu.memory_space<vmem>>) dst(%dma_wait3A_74 : memref<25x128xf32, #tpu.memory_space<vmem_shared>>)
      }
      %scan3A_33 = arith.constant 25 : i32
      %eq3A_34 = arith.constant 0 : i32
      %eq3A_35 = arith.cmpi eq, %arg0, %eq3A_34 : i32
      %convert_element_type3A_36 = arith.extui %eq3A_35 : i1 to i32
      %cond3A_37 = arith.constant 0 : i32
      %cond3A_38 = arith.cmpi ne, %convert_element_type3A_36, %cond3A_37 : i32
      scf.if %cond3A_38 {
        %scan3A_62 = arith.constant 0 : i32
        %scan3A_63 = arith.constant 5 : i32
        %scan3A_64 = arith.addi %scan3A_62, %scan3A_63 : i32
        %scan3A_65 = arith.constant 1 : i32
        scf.for %scan3A_67 = %scan3A_62 to %scan3A_64 step %scan3A_65  : i32 {
          %mul3A_68 = arith.constant 1 : i32
          %mul3A_69 = arith.muli %scan3A_67, %mul3A_68 : i32
          %add3A_70 = arith.constant 0 : i32
          %add3A_71 = arith.addi %add3A_70, %mul3A_69 : i32
          %mul3A_72 = arith.constant 625 : i32
          %mul3A_73 = arith.muli %arg1, %mul3A_72 : i32
          %mul3A_74 = arith.constant 125 : i32
          %mul3A_75 = arith.muli %add3A_71, %mul3A_74 : i32
          %add3A_76 = arith.addi %mul3A_73, %mul3A_75 : i32
          %dma_wait3A = arith.constant 0 : i32
          %dma_wait3A_77 = tpu.memref_slice %arg10[%add3A_76, %dma_wait3A] : memref<10000x16xf32, #tpu.memory_space<vmem_shared>> -> memref<125x16xf32, #tpu.memory_space<vmem_shared>>
          %dma_wait3A_78 = arith.constant 0 : i32
          %dma_wait3A_79 = tpu.memref_slice %arg10[%add3A_76, %dma_wait3A_78] : memref<10000x16xf32, #tpu.memory_space<vmem_shared>> -> memref<125x16xf32, #tpu.memory_space<vmem_shared>>
          tpu.wait_dma2 semaphore(%arg26 : memref<!tpu.dma_semaphore, #tpu.memory_space<semaphore_mem>>) src(%arg18 : memref<125x16xf32, #tpu.memory_space<vmem>>) dst(%dma_wait3A_79 : memref<125x16xf32, #tpu.memory_space<vmem_shared>>)
        }
        %scan3A_66 = arith.constant 5 : i32
      } else {
      }
      %barrier3A = arith.constant 0 : index
      tpu.barrier barrier_id(%barrier3A)
      %eq3A_39 = arith.constant 0 : i32
      %eq3A_40 = arith.cmpi eq, %arg0, %eq3A_39 : i32
      %convert_element_type3A_41 = arith.extui %eq3A_40 : i1 to i32
      %cond3A_42 = arith.constant 0 : i32
      %cond3A_43 = arith.cmpi ne, %convert_element_type3A_41, %cond3A_42 : i32
      scf.if %cond3A_43 {
        %dma_start3A = arith.constant 0 : i32
        %dma_start3A_62 = arith.constant 0 : i32
        %dma_start3A_63 = tpu.memref_slice %arg11[%dma_start3A, %dma_start3A_62] : memref<80x50xi32, #tpu.memory_space<vmem>> -> memref<1x50xi32, #tpu.memory_space<vmem>>
        %dma_start3A_64 = tpu.memref_squeeze %dma_start3A_63 : memref<1x50xi32, #tpu.memory_space<vmem>> -> memref<50xi32, #tpu.memory_space<vmem>>
        %dma_start3A_65 = arith.constant 0 : i32
        %dma_start3A_66 = arith.constant 0 : i32
        %dma_start3A_67 = tpu.memref_slice %arg2[%dma_start3A_65, %dma_start3A_66] : memref<10000x128xf32, #tpu.memory_space<hbm>> -> memref<10000x128xf32, #tpu.memory_space<hbm>>
        tpu.enqueue_indirect_dma source(%dma_start3A_67 : memref<10000x128xf32, #tpu.memory_space<hbm>>) target(%arg13 : memref<50x128xf32, #tpu.memory_space<vmem>>) offsets(%dma_start3A_64 : memref<50xi32, #tpu.memory_space<vmem>>) semaphore(%arg19 : memref<!tpu.dma_semaphore, #tpu.memory_space<semaphore_mem>>)
        %dma_start3A_68 = arith.constant 1 : i32
        %dma_start3A_69 = arith.constant 0 : i32
        %dma_start3A_70 = tpu.memref_slice %arg11[%dma_start3A_68, %dma_start3A_69] : memref<80x50xi32, #tpu.memory_space<vmem>> -> memref<1x50xi32, #tpu.memory_space<vmem>>
        %dma_start3A_71 = tpu.memref_squeeze %dma_start3A_70 : memref<1x50xi32, #tpu.memory_space<vmem>> -> memref<50xi32, #tpu.memory_space<vmem>>
        %dma_start3A_72 = arith.constant 0 : i32
        %dma_start3A_73 = arith.constant 0 : i32
        %dma_start3A_74 = tpu.memref_slice %arg2[%dma_start3A_72, %dma_start3A_73] : memref<10000x128xf32, #tpu.memory_space<hbm>> -> memref<10000x128xf32, #tpu.memory_space<hbm>>
        tpu.enqueue_indirect_dma source(%dma_start3A_74 : memref<10000x128xf32, #tpu.memory_space<hbm>>) target(%arg14 : memref<50x128xf32, #tpu.memory_space<vmem>>) offsets(%dma_start3A_71 : memref<50xi32, #tpu.memory_space<vmem>>) semaphore(%arg20 : memref<!tpu.dma_semaphore, #tpu.memory_space<semaphore_mem>>)
        %scan3A_75 = arith.constant 0 : i32
        %scan3A_76 = arith.constant 26 : i32
        %scan3A_77 = arith.addi %scan3A_75, %scan3A_76 : i32
        %scan3A_78 = arith.constant 1 : i32
        scf.for %scan3A_147 = %scan3A_75 to %scan3A_77 step %scan3A_78  : i32 {
          %mul3A_148 = arith.constant 3 : i32
          %mul3A_149 = arith.muli %scan3A_147, %mul3A_148 : i32
          %add3A_150 = arith.constant 0 : i32
          %add3A_151 = arith.addi %add3A_150, %mul3A_149 : i32
          %gt3A = arith.constant 0 : i32
          %gt3A_152 = arith.cmpi sgt, %add3A_151, %gt3A : i32
          %convert_element_type3A_153 = arith.extui %gt3A_152 : i1 to i32
          %cond3A_154 = arith.constant 0 : i32
          %cond3A_155 = arith.cmpi ne, %convert_element_type3A_153, %cond3A_154 : i32
          scf.if %cond3A_155 {
            %sub3A = arith.constant 1 : i32
            %sub3A_260 = arith.subi %add3A_151, %sub3A : i32
            %dma_wait3A_261 = arith.constant 0 : i32
            %dma_wait3A_262 = tpu.memref_slice %arg12[%sub3A_260, %dma_wait3A_261] : memref<80x50xi32, #tpu.memory_space<vmem>> -> memref<1x50xi32, #tpu.memory_space<vmem>>
            %dma_wait3A_263 = tpu.memref_squeeze %dma_wait3A_262 : memref<1x50xi32, #tpu.memory_space<vmem>> -> memref<50xi32, #tpu.memory_space<vmem>>
            %dma_wait3A_264 = arith.constant 0 : i32
            %dma_wait3A_265 = arith.constant 0 : i32
            %dma_wait3A_266 = tpu.memref_slice %arg9[%dma_wait3A_264, %dma_wait3A_265] : memref<10000x128xf32, #tpu.memory_space<vmem_shared>> -> memref<10000x128xf32, #tpu.memory_space<vmem_shared>>
            tpu.wait_indirect_dma semaphore(%arg24 : memref<!tpu.dma_semaphore, #tpu.memory_space<semaphore_mem>>) src(%arg15 : memref<50x128xf32, #tpu.memory_space<vmem>>) dst(%dma_wait3A_266 : memref<10000x128xf32, #tpu.memory_space<vmem_shared>>)
          } else {
          }
          %dma_wait3A_156 = arith.constant 0 : i32
          %dma_wait3A_157 = tpu.memref_slice %arg11[%add3A_151, %dma_wait3A_156] : memref<80x50xi32, #tpu.memory_space<vmem>> -> memref<1x50xi32, #tpu.memory_space<vmem>>
          %dma_wait3A_158 = tpu.memref_squeeze %dma_wait3A_157 : memref<1x50xi32, #tpu.memory_space<vmem>> -> memref<50xi32, #tpu.memory_space<vmem>>
          %dma_wait3A_159 = arith.constant 0 : i32
          %dma_wait3A_160 = arith.constant 0 : i32
          %dma_wait3A_161 = tpu.memref_slice %arg2[%dma_wait3A_159, %dma_wait3A_160] : memref<10000x128xf32, #tpu.memory_space<hbm>> -> memref<10000x128xf32, #tpu.memory_space<hbm>>
          tpu.wait_indirect_dma semaphore(%arg19 : memref<!tpu.dma_semaphore, #tpu.memory_space<semaphore_mem>>) src(%dma_wait3A_161 : memref<10000x128xf32, #tpu.memory_space<hbm>>) dst(%arg13 : memref<50x128xf32, #tpu.memory_space<vmem>>)
          %dma_start3A_162 = arith.constant 0 : i32
          %dma_start3A_163 = tpu.memref_slice %arg12[%add3A_151, %dma_start3A_162] : memref<80x50xi32, #tpu.memory_space<vmem>> -> memref<1x50xi32, #tpu.memory_space<vmem>>
          %dma_start3A_164 = tpu.memref_squeeze %dma_start3A_163 : memref<1x50xi32, #tpu.memory_space<vmem>> -> memref<50xi32, #tpu.memory_space<vmem>>
          %dma_start3A_165 = arith.constant 0 : i32
          %dma_start3A_166 = arith.constant 0 : i32
          %dma_start3A_167 = tpu.memref_slice %arg9[%dma_start3A_165, %dma_start3A_166] : memref<10000x128xf32, #tpu.memory_space<vmem_shared>> -> memref<10000x128xf32, #tpu.memory_space<vmem_shared>>
          tpu.enqueue_indirect_dma source(%arg13 : memref<50x128xf32, #tpu.memory_space<vmem>>) target(%dma_start3A_167 : memref<10000x128xf32, #tpu.memory_space<vmem_shared>>) offsets(%dma_start3A_164 : memref<50xi32, #tpu.memory_space<vmem>>) semaphore(%arg22 : memref<!tpu.dma_semaphore, #tpu.memory_space<semaphore_mem>>) {add = true}
          %dma_start3A_168 = arith.constant 0 : i32
          %dma_start3A_169 = tpu.memref_slice %arg12[%add3A_151, %dma_start3A_168] : memref<80x50xi32, #tpu.memory_space<vmem>> -> memref<1x50xi32, #tpu.memory_space<vmem>>
          %dma_start3A_170 = tpu.memref_squeeze %dma_start3A_169 : memref<1x50xi32, #tpu.memory_space<vmem>> -> memref<50xi32, #tpu.memory_space<vmem>>
          %dma_start3A_171 = arith.constant 0 : i32
          %dma_start3A_172 = arith.constant 0 : i32
          %dma_start3A_173 = tpu.memref_slice %arg10[%dma_start3A_171, %dma_start3A_172] : memref<10000x16xf32, #tpu.memory_space<vmem_shared>> -> memref<10000x16xf32, #tpu.memory_space<vmem_shared>>
          tpu.enqueue_indirect_dma source(%arg16 : memref<50x16xf32, #tpu.memory_space<vmem>>) target(%dma_start3A_173 : memref<10000x16xf32, #tpu.memory_space<vmem_shared>>) offsets(%dma_start3A_170 : memref<50xi32, #tpu.memory_space<vmem>>) semaphore(%arg25 : memref<!tpu.dma_semaphore, #tpu.memory_space<semaphore_mem>>) {add = true}
          %add3A_174 = arith.constant 2 : i32
          %add3A_175 = arith.addi %add3A_151, %add3A_174 : i32
          %dma_start3A_176 = arith.constant 0 : i32
          %dma_start3A_177 = tpu.memref_slice %arg11[%add3A_175, %dma_start3A_176] : memref<80x50xi32, #tpu.memory_space<vmem>> -> memref<1x50xi32, #tpu.memory_space<vmem>>
          %dma_start3A_178 = tpu.memref_squeeze %dma_start3A_177 : memref<1x50xi32, #tpu.memory_space<vmem>> -> memref<50xi32, #tpu.memory_space<vmem>>
          %dma_start3A_179 = arith.constant 0 : i32
          %dma_start3A_180 = arith.constant 0 : i32
          %dma_start3A_181 = tpu.memref_slice %arg2[%dma_start3A_179, %dma_start3A_180] : memref<10000x128xf32, #tpu.memory_space<hbm>> -> memref<10000x128xf32, #tpu.memory_space<hbm>>
          tpu.enqueue_indirect_dma source(%dma_start3A_181 : memref<10000x128xf32, #tpu.memory_space<hbm>>) target(%arg15 : memref<50x128xf32, #tpu.memory_space<vmem>>) offsets(%dma_start3A_178 : memref<50xi32, #tpu.memory_space<vmem>>) semaphore(%arg21 : memref<!tpu.dma_semaphore, #tpu.memory_space<semaphore_mem>>)
          %add3A_182 = arith.constant 1 : i32
          %add3A_183 = arith.addi %add3A_151, %add3A_182 : i32
          %dma_wait3A_184 = arith.constant 0 : i32
          %dma_wait3A_185 = tpu.memref_slice %arg11[%add3A_183, %dma_wait3A_184] : memref<80x50xi32, #tpu.memory_space<vmem>> -> memref<1x50xi32, #tpu.memory_space<vmem>>
          %dma_wait3A_186 = tpu.memref_squeeze %dma_wait3A_185 : memref<1x50xi32, #tpu.memory_space<vmem>> -> memref<50xi32, #tpu.memory_space<vmem>>
          %dma_wait3A_187 = arith.constant 0 : i32
          %dma_wait3A_188 = arith.constant 0 : i32
          %dma_wait3A_189 = tpu.memref_slice %arg2[%dma_wait3A_187, %dma_wait3A_188] : memref<10000x128xf32, #tpu.memory_space<hbm>> -> memref<10000x128xf32, #tpu.memory_space<hbm>>
          tpu.wait_indirect_dma semaphore(%arg20 : memref<!tpu.dma_semaphore, #tpu.memory_space<semaphore_mem>>) src(%dma_wait3A_189 : memref<10000x128xf32, #tpu.memory_space<hbm>>) dst(%arg14 : memref<50x128xf32, #tpu.memory_space<vmem>>)
          %add3A_190 = arith.constant 1 : i32
          %add3A_191 = arith.addi %add3A_151, %add3A_190 : i32
          %dma_start3A_192 = arith.constant 0 : i32
          %dma_start3A_193 = tpu.memref_slice %arg12[%add3A_191, %dma_start3A_192] : memref<80x50xi32, #tpu.memory_space<vmem>> -> memref<1x50xi32, #tpu.memory_space<vmem>>
          %dma_start3A_194 = tpu.memref_squeeze %dma_start3A_193 : memref<1x50xi32, #tpu.memory_space<vmem>> -> memref<50xi32, #tpu.memory_space<vmem>>
          %dma_start3A_195 = arith.constant 0 : i32
          %dma_start3A_196 = arith.constant 0 : i32
          %dma_start3A_197 = tpu.memref_slice %arg9[%dma_start3A_195, %dma_start3A_196] : memref<10000x128xf32, #tpu.memory_space<vmem_shared>> -> memref<10000x128xf32, #tpu.memory_space<vmem_shared>>
          tpu.enqueue_indirect_dma source(%arg14 : memref<50x128xf32, #tpu.memory_space<vmem>>) target(%dma_start3A_197 : memref<10000x128xf32, #tpu.memory_space<vmem_shared>>) offsets(%dma_start3A_194 : memref<50xi32, #tpu.memory_space<vmem>>) semaphore(%arg23 : memref<!tpu.dma_semaphore, #tpu.memory_space<semaphore_mem>>) {add = true}
          %add3A_198 = arith.constant 1 : i32
          %add3A_199 = arith.addi %add3A_151, %add3A_198 : i32
          %dma_start3A_200 = arith.constant 0 : i32
          %dma_start3A_201 = tpu.memref_slice %arg12[%add3A_199, %dma_start3A_200] : memref<80x50xi32, #tpu.memory_space<vmem>> -> memref<1x50xi32, #tpu.memory_space<vmem>>
          %dma_start3A_202 = tpu.memref_squeeze %dma_start3A_201 : memref<1x50xi32, #tpu.memory_space<vmem>> -> memref<50xi32, #tpu.memory_space<vmem>>
          %dma_start3A_203 = arith.constant 0 : i32
          %dma_start3A_204 = arith.constant 0 : i32
          %dma_start3A_205 = tpu.memref_slice %arg10[%dma_start3A_203, %dma_start3A_204] : memref<10000x16xf32, #tpu.memory_space<vmem_shared>> -> memref<10000x16xf32, #tpu.memory_space<vmem_shared>>
          tpu.enqueue_indirect_dma source(%arg16 : memref<50x16xf32, #tpu.memory_space<vmem>>) target(%dma_start3A_205 : memref<10000x16xf32, #tpu.memory_space<vmem_shared>>) offsets(%dma_start3A_202 : memref<50xi32, #tpu.memory_space<vmem>>) semaphore(%arg25 : memref<!tpu.dma_semaphore, #tpu.memory_space<semaphore_mem>>) {add = true}
          %dma_wait3A_206 = arith.constant 0 : i32
          %dma_wait3A_207 = tpu.memref_slice %arg12[%add3A_151, %dma_wait3A_206] : memref<80x50xi32, #tpu.memory_space<vmem>> -> memref<1x50xi32, #tpu.memory_space<vmem>>
          %dma_wait3A_208 = tpu.memref_squeeze %dma_wait3A_207 : memref<1x50xi32, #tpu.memory_space<vmem>> -> memref<50xi32, #tpu.memory_space<vmem>>
          %dma_wait3A_209 = arith.constant 0 : i32
          %dma_wait3A_210 = arith.constant 0 : i32
          %dma_wait3A_211 = tpu.memref_slice %arg9[%dma_wait3A_209, %dma_wait3A_210] : memref<10000x128xf32, #tpu.memory_space<vmem_shared>> -> memref<10000x128xf32, #tpu.memory_space<vmem_shared>>
          tpu.wait_indirect_dma semaphore(%arg22 : memref<!tpu.dma_semaphore, #tpu.memory_space<semaphore_mem>>) src(%arg13 : memref<50x128xf32, #tpu.memory_space<vmem>>) dst(%dma_wait3A_211 : memref<10000x128xf32, #tpu.memory_space<vmem_shared>>)
          %add3A_212 = arith.constant 3 : i32
          %add3A_213 = arith.addi %add3A_151, %add3A_212 : i32
          %dma_start3A_214 = arith.constant 0 : i32
          %dma_start3A_215 = tpu.memref_slice %arg11[%add3A_213, %dma_start3A_214] : memref<80x50xi32, #tpu.memory_space<vmem>> -> memref<1x50xi32, #tpu.memory_space<vmem>>
          %dma_start3A_216 = tpu.memref_squeeze %dma_start3A_215 : memref<1x50xi32, #tpu.memory_space<vmem>> -> memref<50xi32, #tpu.memory_space<vmem>>
          %dma_start3A_217 = arith.constant 0 : i32
          %dma_start3A_218 = arith.constant 0 : i32
          %dma_start3A_219 = tpu.memref_slice %arg2[%dma_start3A_217, %dma_start3A_218] : memref<10000x128xf32, #tpu.memory_space<hbm>> -> memref<10000x128xf32, #tpu.memory_space<hbm>>
          tpu.enqueue_indirect_dma source(%dma_start3A_219 : memref<10000x128xf32, #tpu.memory_space<hbm>>) target(%arg13 : memref<50x128xf32, #tpu.memory_space<vmem>>) offsets(%dma_start3A_216 : memref<50xi32, #tpu.memory_space<vmem>>) semaphore(%arg19 : memref<!tpu.dma_semaphore, #tpu.memory_space<semaphore_mem>>)
          %add3A_220 = arith.constant 2 : i32
          %add3A_221 = arith.addi %add3A_151, %add3A_220 : i32
          %dma_wait3A_222 = arith.constant 0 : i32
          %dma_wait3A_223 = tpu.memref_slice %arg11[%add3A_221, %dma_wait3A_222] : memref<80x50xi32, #tpu.memory_space<vmem>> -> memref<1x50xi32, #tpu.memory_space<vmem>>
          %dma_wait3A_224 = tpu.memref_squeeze %dma_wait3A_223 : memref<1x50xi32, #tpu.memory_space<vmem>> -> memref<50xi32, #tpu.memory_space<vmem>>
          %dma_wait3A_225 = arith.constant 0 : i32
          %dma_wait3A_226 = arith.constant 0 : i32
          %dma_wait3A_227 = tpu.memref_slice %arg2[%dma_wait3A_225, %dma_wait3A_226] : memref<10000x128xf32, #tpu.memory_space<hbm>> -> memref<10000x128xf32, #tpu.memory_space<hbm>>
          tpu.wait_indirect_dma semaphore(%arg21 : memref<!tpu.dma_semaphore, #tpu.memory_space<semaphore_mem>>) src(%dma_wait3A_227 : memref<10000x128xf32, #tpu.memory_space<hbm>>) dst(%arg15 : memref<50x128xf32, #tpu.memory_space<vmem>>)
          %add3A_228 = arith.constant 2 : i32
          %add3A_229 = arith.addi %add3A_151, %add3A_228 : i32
          %dma_start3A_230 = arith.constant 0 : i32
          %dma_start3A_231 = tpu.memref_slice %arg12[%add3A_229, %dma_start3A_230] : memref<80x50xi32, #tpu.memory_space<vmem>> -> memref<1x50xi32, #tpu.memory_space<vmem>>
          %dma_start3A_232 = tpu.memref_squeeze %dma_start3A_231 : memref<1x50xi32, #tpu.memory_space<vmem>> -> memref<50xi32, #tpu.memory_space<vmem>>
          %dma_start3A_233 = arith.constant 0 : i32
          %dma_start3A_234 = arith.constant 0 : i32
          %dma_start3A_235 = tpu.memref_slice %arg9[%dma_start3A_233, %dma_start3A_234] : memref<10000x128xf32, #tpu.memory_space<vmem_shared>> -> memref<10000x128xf32, #tpu.memory_space<vmem_shared>>
          tpu.enqueue_indirect_dma source(%arg15 : memref<50x128xf32, #tpu.memory_space<vmem>>) target(%dma_start3A_235 : memref<10000x128xf32, #tpu.memory_space<vmem_shared>>) offsets(%dma_start3A_232 : memref<50xi32, #tpu.memory_space<vmem>>) semaphore(%arg24 : memref<!tpu.dma_semaphore, #tpu.memory_space<semaphore_mem>>) {add = true}
          %add3A_236 = arith.constant 2 : i32
          %add3A_237 = arith.addi %add3A_151, %add3A_236 : i32
          %dma_start3A_238 = arith.constant 0 : i32
          %dma_start3A_239 = tpu.memref_slice %arg12[%add3A_237, %dma_start3A_238] : memref<80x50xi32, #tpu.memory_space<vmem>> -> memref<1x50xi32, #tpu.memory_space<vmem>>
          %dma_start3A_240 = tpu.memref_squeeze %dma_start3A_239 : memref<1x50xi32, #tpu.memory_space<vmem>> -> memref<50xi32, #tpu.memory_space<vmem>>
          %dma_start3A_241 = arith.constant 0 : i32
          %dma_start3A_242 = arith.constant 0 : i32
          %dma_start3A_243 = tpu.memref_slice %arg10[%dma_start3A_241, %dma_start3A_242] : memref<10000x16xf32, #tpu.memory_space<vmem_shared>> -> memref<10000x16xf32, #tpu.memory_space<vmem_shared>>
          tpu.enqueue_indirect_dma source(%arg16 : memref<50x16xf32, #tpu.memory_space<vmem>>) target(%dma_start3A_243 : memref<10000x16xf32, #tpu.memory_space<vmem_shared>>) offsets(%dma_start3A_240 : memref<50xi32, #tpu.memory_space<vmem>>) semaphore(%arg25 : memref<!tpu.dma_semaphore, #tpu.memory_space<semaphore_mem>>) {add = true}
          %add3A_244 = arith.constant 1 : i32
          %add3A_245 = arith.addi %add3A_151, %add3A_244 : i32
          %dma_wait3A_246 = arith.constant 0 : i32
          %dma_wait3A_247 = tpu.memref_slice %arg12[%add3A_245, %dma_wait3A_246] : memref<80x50xi32, #tpu.memory_space<vmem>> -> memref<1x50xi32, #tpu.memory_space<vmem>>
          %dma_wait3A_248 = tpu.memref_squeeze %dma_wait3A_247 : memref<1x50xi32, #tpu.memory_space<vmem>> -> memref<50xi32, #tpu.memory_space<vmem>>
          %dma_wait3A_249 = arith.constant 0 : i32
          %dma_wait3A_250 = arith.constant 0 : i32
          %dma_wait3A_251 = tpu.memref_slice %arg9[%dma_wait3A_249, %dma_wait3A_250] : memref<10000x128xf32, #tpu.memory_space<vmem_shared>> -> memref<10000x128xf32, #tpu.memory_space<vmem_shared>>
          tpu.wait_indirect_dma semaphore(%arg23 : memref<!tpu.dma_semaphore, #tpu.memory_space<semaphore_mem>>) src(%arg14 : memref<50x128xf32, #tpu.memory_space<vmem>>) dst(%dma_wait3A_251 : memref<10000x128xf32, #tpu.memory_space<vmem_shared>>)
          %add3A_252 = arith.constant 4 : i32
          %add3A_253 = arith.addi %add3A_151, %add3A_252 : i32
          %dma_start3A_254 = arith.constant 0 : i32
          %dma_start3A_255 = tpu.memref_slice %arg11[%add3A_253, %dma_start3A_254] : memref<80x50xi32, #tpu.memory_space<vmem>> -> memref<1x50xi32, #tpu.memory_space<vmem>>
          %dma_start3A_256 = tpu.memref_squeeze %dma_start3A_255 : memref<1x50xi32, #tpu.memory_space<vmem>> -> memref<50xi32, #tpu.memory_space<vmem>>
          %dma_start3A_257 = arith.constant 0 : i32
          %dma_start3A_258 = arith.constant 0 : i32
          %dma_start3A_259 = tpu.memref_slice %arg2[%dma_start3A_257, %dma_start3A_258] : memref<10000x128xf32, #tpu.memory_space<hbm>> -> memref<10000x128xf32, #tpu.memory_space<hbm>>
          tpu.enqueue_indirect_dma source(%dma_start3A_259 : memref<10000x128xf32, #tpu.memory_space<hbm>>) target(%arg14 : memref<50x128xf32, #tpu.memory_space<vmem>>) offsets(%dma_start3A_256 : memref<50xi32, #tpu.memory_space<vmem>>) semaphore(%arg20 : memref<!tpu.dma_semaphore, #tpu.memory_space<semaphore_mem>>)
        }
        %scan3A_79 = arith.constant 26 : i32
        %dma_wait3A = arith.constant 77 : i32
        %dma_wait3A_80 = arith.constant 0 : i32
        %dma_wait3A_81 = tpu.memref_slice %arg12[%dma_wait3A, %dma_wait3A_80] : memref<80x50xi32, #tpu.memory_space<vmem>> -> memref<1x50xi32, #tpu.memory_space<vmem>>
        %dma_wait3A_82 = tpu.memref_squeeze %dma_wait3A_81 : memref<1x50xi32, #tpu.memory_space<vmem>> -> memref<50xi32, #tpu.memory_space<vmem>>
        %dma_wait3A_83 = arith.constant 0 : i32
        %dma_wait3A_84 = arith.constant 0 : i32
        %dma_wait3A_85 = tpu.memref_slice %arg9[%dma_wait3A_83, %dma_wait3A_84] : memref<10000x128xf32, #tpu.memory_space<vmem_shared>> -> memref<10000x128xf32, #tpu.memory_space<vmem_shared>>
        tpu.wait_indirect_dma semaphore(%arg24 : memref<!tpu.dma_semaphore, #tpu.memory_space<semaphore_mem>>) src(%arg15 : memref<50x128xf32, #tpu.memory_space<vmem>>) dst(%dma_wait3A_85 : memref<10000x128xf32, #tpu.memory_space<vmem_shared>>)
        %dma_wait3A_86 = arith.constant 78 : i32
        %dma_wait3A_87 = arith.constant 0 : i32
        %dma_wait3A_88 = tpu.memref_slice %arg11[%dma_wait3A_86, %dma_wait3A_87] : memref<80x50xi32, #tpu.memory_space<vmem>> -> memref<1x50xi32, #tpu.memory_space<vmem>>
        %dma_wait3A_89 = tpu.memref_squeeze %dma_wait3A_88 : memref<1x50xi32, #tpu.memory_space<vmem>> -> memref<50xi32, #tpu.memory_space<vmem>>
        %dma_wait3A_90 = arith.constant 0 : i32
        %dma_wait3A_91 = arith.constant 0 : i32
        %dma_wait3A_92 = tpu.memref_slice %arg2[%dma_wait3A_90, %dma_wait3A_91] : memref<10000x128xf32, #tpu.memory_space<hbm>> -> memref<10000x128xf32, #tpu.memory_space<hbm>>
        tpu.wait_indirect_dma semaphore(%arg19 : memref<!tpu.dma_semaphore, #tpu.memory_space<semaphore_mem>>) src(%dma_wait3A_92 : memref<10000x128xf32, #tpu.memory_space<hbm>>) dst(%arg13 : memref<50x128xf32, #tpu.memory_space<vmem>>)
        %dma_start3A_93 = arith.constant 78 : i32
        %dma_start3A_94 = arith.constant 0 : i32
        %dma_start3A_95 = tpu.memref_slice %arg12[%dma_start3A_93, %dma_start3A_94] : memref<80x50xi32, #tpu.memory_space<vmem>> -> memref<1x50xi32, #tpu.memory_space<vmem>>
        %dma_start3A_96 = tpu.memref_squeeze %dma_start3A_95 : memref<1x50xi32, #tpu.memory_space<vmem>> -> memref<50xi32, #tpu.memory_space<vmem>>
        %dma_start3A_97 = arith.constant 0 : i32
        %dma_start3A_98 = arith.constant 0 : i32
        %dma_start3A_99 = tpu.memref_slice %arg9[%dma_start3A_97, %dma_start3A_98] : memref<10000x128xf32, #tpu.memory_space<vmem_shared>> -> memref<10000x128xf32, #tpu.memory_space<vmem_shared>>
        tpu.enqueue_indirect_dma source(%arg13 : memref<50x128xf32, #tpu.memory_space<vmem>>) target(%dma_start3A_99 : memref<10000x128xf32, #tpu.memory_space<vmem_shared>>) offsets(%dma_start3A_96 : memref<50xi32, #tpu.memory_space<vmem>>) semaphore(%arg22 : memref<!tpu.dma_semaphore, #tpu.memory_space<semaphore_mem>>) {add = true}
        %dma_start3A_100 = arith.constant 78 : i32
        %dma_start3A_101 = arith.constant 0 : i32
        %dma_start3A_102 = tpu.memref_slice %arg12[%dma_start3A_100, %dma_start3A_101] : memref<80x50xi32, #tpu.memory_space<vmem>> -> memref<1x50xi32, #tpu.memory_space<vmem>>
        %dma_start3A_103 = tpu.memref_squeeze %dma_start3A_102 : memref<1x50xi32, #tpu.memory_space<vmem>> -> memref<50xi32, #tpu.memory_space<vmem>>
        %dma_start3A_104 = arith.constant 0 : i32
        %dma_start3A_105 = arith.constant 0 : i32
        %dma_start3A_106 = tpu.memref_slice %arg10[%dma_start3A_104, %dma_start3A_105] : memref<10000x16xf32, #tpu.memory_space<vmem_shared>> -> memref<10000x16xf32, #tpu.memory_space<vmem_shared>>
        tpu.enqueue_indirect_dma source(%arg16 : memref<50x16xf32, #tpu.memory_space<vmem>>) target(%dma_start3A_106 : memref<10000x16xf32, #tpu.memory_space<vmem_shared>>) offsets(%dma_start3A_103 : memref<50xi32, #tpu.memory_space<vmem>>) semaphore(%arg25 : memref<!tpu.dma_semaphore, #tpu.memory_space<semaphore_mem>>) {add = true}
        %dma_wait3A_107 = arith.constant 79 : i32
        %dma_wait3A_108 = arith.constant 0 : i32
        %dma_wait3A_109 = tpu.memref_slice %arg11[%dma_wait3A_107, %dma_wait3A_108] : memref<80x50xi32, #tpu.memory_space<vmem>> -> memref<1x50xi32, #tpu.memory_space<vmem>>
        %dma_wait3A_110 = tpu.memref_squeeze %dma_wait3A_109 : memref<1x50xi32, #tpu.memory_space<vmem>> -> memref<50xi32, #tpu.memory_space<vmem>>
        %dma_wait3A_111 = arith.constant 0 : i32
        %dma_wait3A_112 = arith.constant 0 : i32
        %dma_wait3A_113 = tpu.memref_slice %arg2[%dma_wait3A_111, %dma_wait3A_112] : memref<10000x128xf32, #tpu.memory_space<hbm>> -> memref<10000x128xf32, #tpu.memory_space<hbm>>
        tpu.wait_indirect_dma semaphore(%arg20 : memref<!tpu.dma_semaphore, #tpu.memory_space<semaphore_mem>>) src(%dma_wait3A_113 : memref<10000x128xf32, #tpu.memory_space<hbm>>) dst(%arg14 : memref<50x128xf32, #tpu.memory_space<vmem>>)
        %dma_start3A_114 = arith.constant 79 : i32
        %dma_start3A_115 = arith.constant 0 : i32
        %dma_start3A_116 = tpu.memref_slice %arg12[%dma_start3A_114, %dma_start3A_115] : memref<80x50xi32, #tpu.memory_space<vmem>> -> memref<1x50xi32, #tpu.memory_space<vmem>>
        %dma_start3A_117 = tpu.memref_squeeze %dma_start3A_116 : memref<1x50xi32, #tpu.memory_space<vmem>> -> memref<50xi32, #tpu.memory_space<vmem>>
        %dma_start3A_118 = arith.constant 0 : i32
        %dma_start3A_119 = arith.constant 0 : i32
        %dma_start3A_120 = tpu.memref_slice %arg9[%dma_start3A_118, %dma_start3A_119] : memref<10000x128xf32, #tpu.memory_space<vmem_shared>> -> memref<10000x128xf32, #tpu.memory_space<vmem_shared>>
        tpu.enqueue_indirect_dma source(%arg14 : memref<50x128xf32, #tpu.memory_space<vmem>>) target(%dma_start3A_120 : memref<10000x128xf32, #tpu.memory_space<vmem_shared>>) offsets(%dma_start3A_117 : memref<50xi32, #tpu.memory_space<vmem>>) semaphore(%arg23 : memref<!tpu.dma_semaphore, #tpu.memory_space<semaphore_mem>>) {add = true}
        %dma_start3A_121 = arith.constant 79 : i32
        %dma_start3A_122 = arith.constant 0 : i32
        %dma_start3A_123 = tpu.memref_slice %arg12[%dma_start3A_121, %dma_start3A_122] : memref<80x50xi32, #tpu.memory_space<vmem>> -> memref<1x50xi32, #tpu.memory_space<vmem>>
        %dma_start3A_124 = tpu.memref_squeeze %dma_start3A_123 : memref<1x50xi32, #tpu.memory_space<vmem>> -> memref<50xi32, #tpu.memory_space<vmem>>
        %dma_start3A_125 = arith.constant 0 : i32
        %dma_start3A_126 = arith.constant 0 : i32
        %dma_start3A_127 = tpu.memref_slice %arg10[%dma_start3A_125, %dma_start3A_126] : memref<10000x16xf32, #tpu.memory_space<vmem_shared>> -> memref<10000x16xf32, #tpu.memory_space<vmem_shared>>
        tpu.enqueue_indirect_dma source(%arg16 : memref<50x16xf32, #tpu.memory_space<vmem>>) target(%dma_start3A_127 : memref<10000x16xf32, #tpu.memory_space<vmem_shared>>) offsets(%dma_start3A_124 : memref<50xi32, #tpu.memory_space<vmem>>) semaphore(%arg25 : memref<!tpu.dma_semaphore, #tpu.memory_space<semaphore_mem>>) {add = true}
        %dma_wait3A_128 = arith.constant 78 : i32
        %dma_wait3A_129 = arith.constant 0 : i32
        %dma_wait3A_130 = tpu.memref_slice %arg12[%dma_wait3A_128, %dma_wait3A_129] : memref<80x50xi32, #tpu.memory_space<vmem>> -> memref<1x50xi32, #tpu.memory_space<vmem>>
        %dma_wait3A_131 = tpu.memref_squeeze %dma_wait3A_130 : memref<1x50xi32, #tpu.memory_space<vmem>> -> memref<50xi32, #tpu.memory_space<vmem>>
        %dma_wait3A_132 = arith.constant 0 : i32
        %dma_wait3A_133 = arith.constant 0 : i32
        %dma_wait3A_134 = tpu.memref_slice %arg9[%dma_wait3A_132, %dma_wait3A_133] : memref<10000x128xf32, #tpu.memory_space<vmem_shared>> -> memref<10000x128xf32, #tpu.memory_space<vmem_shared>>
        tpu.wait_indirect_dma semaphore(%arg22 : memref<!tpu.dma_semaphore, #tpu.memory_space<semaphore_mem>>) src(%arg13 : memref<50x128xf32, #tpu.memory_space<vmem>>) dst(%dma_wait3A_134 : memref<10000x128xf32, #tpu.memory_space<vmem_shared>>)
        %dma_wait3A_135 = arith.constant 79 : i32
        %dma_wait3A_136 = arith.constant 0 : i32
        %dma_wait3A_137 = tpu.memref_slice %arg12[%dma_wait3A_135, %dma_wait3A_136] : memref<80x50xi32, #tpu.memory_space<vmem>> -> memref<1x50xi32, #tpu.memory_space<vmem>>
        %dma_wait3A_138 = tpu.memref_squeeze %dma_wait3A_137 : memref<1x50xi32, #tpu.memory_space<vmem>> -> memref<50xi32, #tpu.memory_space<vmem>>
        %dma_wait3A_139 = arith.constant 0 : i32
        %dma_wait3A_140 = arith.constant 0 : i32
        %dma_wait3A_141 = tpu.memref_slice %arg9[%dma_wait3A_139, %dma_wait3A_140] : memref<10000x128xf32, #tpu.memory_space<vmem_shared>> -> memref<10000x128xf32, #tpu.memory_space<vmem_shared>>
        tpu.wait_indirect_dma semaphore(%arg23 : memref<!tpu.dma_semaphore, #tpu.memory_space<semaphore_mem>>) src(%arg14 : memref<50x128xf32, #tpu.memory_space<vmem>>) dst(%dma_wait3A_141 : memref<10000x128xf32, #tpu.memory_space<vmem_shared>>)
        %scan3A_142 = arith.constant 0 : i32
        %scan3A_143 = arith.constant 80 : i32
        %scan3A_144 = arith.addi %scan3A_142, %scan3A_143 : i32
        %scan3A_145 = arith.constant 1 : i32
        scf.for %scan3A_147 = %scan3A_142 to %scan3A_144 step %scan3A_145  : i32 {
          %mul3A_148 = arith.constant 1 : i32
          %mul3A_149 = arith.muli %scan3A_147, %mul3A_148 : i32
          %add3A_150 = arith.constant 0 : i32
          %add3A_151 = arith.addi %add3A_150, %mul3A_149 : i32
          %dma_wait3A_152 = arith.constant 0 : i32
          %dma_wait3A_153 = tpu.memref_slice %arg12[%add3A_151, %dma_wait3A_152] : memref<80x50xi32, #tpu.memory_space<vmem>> -> memref<1x50xi32, #tpu.memory_space<vmem>>
          %dma_wait3A_154 = tpu.memref_squeeze %dma_wait3A_153 : memref<1x50xi32, #tpu.memory_space<vmem>> -> memref<50xi32, #tpu.memory_space<vmem>>
          %dma_wait3A_155 = arith.constant 0 : i32
          %dma_wait3A_156 = arith.constant 0 : i32
          %dma_wait3A_157 = tpu.memref_slice %arg10[%dma_wait3A_155, %dma_wait3A_156] : memref<10000x16xf32, #tpu.memory_space<vmem_shared>> -> memref<10000x16xf32, #tpu.memory_space<vmem_shared>>
          tpu.wait_indirect_dma semaphore(%arg25 : memref<!tpu.dma_semaphore, #tpu.memory_space<semaphore_mem>>) src(%arg16 : memref<50x16xf32, #tpu.memory_space<vmem>>) dst(%dma_wait3A_157 : memref<10000x16xf32, #tpu.memory_space<vmem_shared>>)
        }
        %scan3A_146 = arith.constant 80 : i32
      } else {
      }
      %eq3A_44 = arith.constant 1 : i32
      %eq3A_45 = arith.cmpi eq, %arg0, %eq3A_44 : i32
      %convert_element_type3A_46 = arith.extui %eq3A_45 : i1 to i32
      %cond3A_47 = arith.constant 0 : i32
      %cond3A_48 = arith.cmpi ne, %convert_element_type3A_46, %cond3A_47 : i32
      scf.if %cond3A_48 {
        %dma_start3A = arith.constant 0 : i32
        %dma_start3A_62 = arith.constant 0 : i32
        %dma_start3A_63 = tpu.memref_slice %arg11[%dma_start3A, %dma_start3A_62] : memref<80x50xi32, #tpu.memory_space<vmem>> -> memref<1x50xi32, #tpu.memory_space<vmem>>
        %dma_start3A_64 = tpu.memref_squeeze %dma_start3A_63 : memref<1x50xi32, #tpu.memory_space<vmem>> -> memref<50xi32, #tpu.memory_space<vmem>>
        %dma_start3A_65 = arith.constant 0 : i32
        %dma_start3A_66 = arith.constant 0 : i32
        %dma_start3A_67 = tpu.memref_slice %arg3[%dma_start3A_65, %dma_start3A_66] : memref<10000x128xf32, #tpu.memory_space<hbm>> -> memref<10000x128xf32, #tpu.memory_space<hbm>>
        tpu.enqueue_indirect_dma source(%dma_start3A_67 : memref<10000x128xf32, #tpu.memory_space<hbm>>) target(%arg13 : memref<50x128xf32, #tpu.memory_space<vmem>>) offsets(%dma_start3A_64 : memref<50xi32, #tpu.memory_space<vmem>>) semaphore(%arg19 : memref<!tpu.dma_semaphore, #tpu.memory_space<semaphore_mem>>)
        %dma_start3A_68 = arith.constant 1 : i32
        %dma_start3A_69 = arith.constant 0 : i32
        %dma_start3A_70 = tpu.memref_slice %arg11[%dma_start3A_68, %dma_start3A_69] : memref<80x50xi32, #tpu.memory_space<vmem>> -> memref<1x50xi32, #tpu.memory_space<vmem>>
        %dma_start3A_71 = tpu.memref_squeeze %dma_start3A_70 : memref<1x50xi32, #tpu.memory_space<vmem>> -> memref<50xi32, #tpu.memory_space<vmem>>
        %dma_start3A_72 = arith.constant 0 : i32
        %dma_start3A_73 = arith.constant 0 : i32
        %dma_start3A_74 = tpu.memref_slice %arg3[%dma_start3A_72, %dma_start3A_73] : memref<10000x128xf32, #tpu.memory_space<hbm>> -> memref<10000x128xf32, #tpu.memory_space<hbm>>
        tpu.enqueue_indirect_dma source(%dma_start3A_74 : memref<10000x128xf32, #tpu.memory_space<hbm>>) target(%arg14 : memref<50x128xf32, #tpu.memory_space<vmem>>) offsets(%dma_start3A_71 : memref<50xi32, #tpu.memory_space<vmem>>) semaphore(%arg20 : memref<!tpu.dma_semaphore, #tpu.memory_space<semaphore_mem>>)
        %scan3A_75 = arith.constant 0 : i32
        %scan3A_76 = arith.constant 26 : i32
        %scan3A_77 = arith.addi %scan3A_75, %scan3A_76 : i32
        %scan3A_78 = arith.constant 1 : i32
        scf.for %scan3A_128 = %scan3A_75 to %scan3A_77 step %scan3A_78  : i32 {
          %mul3A_129 = arith.constant 3 : i32
          %mul3A_130 = arith.muli %scan3A_128, %mul3A_129 : i32
          %add3A_131 = arith.constant 0 : i32
          %add3A_132 = arith.addi %add3A_131, %mul3A_130 : i32
          %gt3A = arith.constant 0 : i32
          %gt3A_133 = arith.cmpi sgt, %add3A_132, %gt3A : i32
          %convert_element_type3A_134 = arith.extui %gt3A_133 : i1 to i32
          %cond3A_135 = arith.constant 0 : i32
          %cond3A_136 = arith.cmpi ne, %convert_element_type3A_134, %cond3A_135 : i32
          scf.if %cond3A_136 {
            %sub3A = arith.constant 1 : i32
            %sub3A_223 = arith.subi %add3A_132, %sub3A : i32
            %dma_wait3A_224 = arith.constant 0 : i32
            %dma_wait3A_225 = tpu.memref_slice %arg12[%sub3A_223, %dma_wait3A_224] : memref<80x50xi32, #tpu.memory_space<vmem>> -> memref<1x50xi32, #tpu.memory_space<vmem>>
            %dma_wait3A_226 = tpu.memref_squeeze %dma_wait3A_225 : memref<1x50xi32, #tpu.memory_space<vmem>> -> memref<50xi32, #tpu.memory_space<vmem>>
            %dma_wait3A_227 = arith.constant 0 : i32
            %dma_wait3A_228 = arith.constant 0 : i32
            %dma_wait3A_229 = tpu.memref_slice %arg9[%dma_wait3A_227, %dma_wait3A_228] : memref<10000x128xf32, #tpu.memory_space<vmem_shared>> -> memref<10000x128xf32, #tpu.memory_space<vmem_shared>>
            tpu.wait_indirect_dma semaphore(%arg24 : memref<!tpu.dma_semaphore, #tpu.memory_space<semaphore_mem>>) src(%arg15 : memref<50x128xf32, #tpu.memory_space<vmem>>) dst(%dma_wait3A_229 : memref<10000x128xf32, #tpu.memory_space<vmem_shared>>)
          } else {
          }
          %dma_wait3A_137 = arith.constant 0 : i32
          %dma_wait3A_138 = tpu.memref_slice %arg11[%add3A_132, %dma_wait3A_137] : memref<80x50xi32, #tpu.memory_space<vmem>> -> memref<1x50xi32, #tpu.memory_space<vmem>>
          %dma_wait3A_139 = tpu.memref_squeeze %dma_wait3A_138 : memref<1x50xi32, #tpu.memory_space<vmem>> -> memref<50xi32, #tpu.memory_space<vmem>>
          %dma_wait3A_140 = arith.constant 0 : i32
          %dma_wait3A_141 = arith.constant 0 : i32
          %dma_wait3A_142 = tpu.memref_slice %arg3[%dma_wait3A_140, %dma_wait3A_141] : memref<10000x128xf32, #tpu.memory_space<hbm>> -> memref<10000x128xf32, #tpu.memory_space<hbm>>
          tpu.wait_indirect_dma semaphore(%arg19 : memref<!tpu.dma_semaphore, #tpu.memory_space<semaphore_mem>>) src(%dma_wait3A_142 : memref<10000x128xf32, #tpu.memory_space<hbm>>) dst(%arg13 : memref<50x128xf32, #tpu.memory_space<vmem>>)
          %dma_start3A_143 = arith.constant 0 : i32
          %dma_start3A_144 = tpu.memref_slice %arg12[%add3A_132, %dma_start3A_143] : memref<80x50xi32, #tpu.memory_space<vmem>> -> memref<1x50xi32, #tpu.memory_space<vmem>>
          %dma_start3A_145 = tpu.memref_squeeze %dma_start3A_144 : memref<1x50xi32, #tpu.memory_space<vmem>> -> memref<50xi32, #tpu.memory_space<vmem>>
          %dma_start3A_146 = arith.constant 0 : i32
          %dma_start3A_147 = arith.constant 0 : i32
          %dma_start3A_148 = tpu.memref_slice %arg9[%dma_start3A_146, %dma_start3A_147] : memref<10000x128xf32, #tpu.memory_space<vmem_shared>> -> memref<10000x128xf32, #tpu.memory_space<vmem_shared>>
          tpu.enqueue_indirect_dma source(%arg13 : memref<50x128xf32, #tpu.memory_space<vmem>>) target(%dma_start3A_148 : memref<10000x128xf32, #tpu.memory_space<vmem_shared>>) offsets(%dma_start3A_145 : memref<50xi32, #tpu.memory_space<vmem>>) semaphore(%arg22 : memref<!tpu.dma_semaphore, #tpu.memory_space<semaphore_mem>>) {add = true}
          %add3A_149 = arith.constant 2 : i32
          %add3A_150 = arith.addi %add3A_132, %add3A_149 : i32
          %dma_start3A_151 = arith.constant 0 : i32
          %dma_start3A_152 = tpu.memref_slice %arg11[%add3A_150, %dma_start3A_151] : memref<80x50xi32, #tpu.memory_space<vmem>> -> memref<1x50xi32, #tpu.memory_space<vmem>>
          %dma_start3A_153 = tpu.memref_squeeze %dma_start3A_152 : memref<1x50xi32, #tpu.memory_space<vmem>> -> memref<50xi32, #tpu.memory_space<vmem>>
          %dma_start3A_154 = arith.constant 0 : i32
          %dma_start3A_155 = arith.constant 0 : i32
          %dma_start3A_156 = tpu.memref_slice %arg3[%dma_start3A_154, %dma_start3A_155] : memref<10000x128xf32, #tpu.memory_space<hbm>> -> memref<10000x128xf32, #tpu.memory_space<hbm>>
          tpu.enqueue_indirect_dma source(%dma_start3A_156 : memref<10000x128xf32, #tpu.memory_space<hbm>>) target(%arg15 : memref<50x128xf32, #tpu.memory_space<vmem>>) offsets(%dma_start3A_153 : memref<50xi32, #tpu.memory_space<vmem>>) semaphore(%arg21 : memref<!tpu.dma_semaphore, #tpu.memory_space<semaphore_mem>>)
          %add3A_157 = arith.constant 1 : i32
          %add3A_158 = arith.addi %add3A_132, %add3A_157 : i32
          %dma_wait3A_159 = arith.constant 0 : i32
          %dma_wait3A_160 = tpu.memref_slice %arg11[%add3A_158, %dma_wait3A_159] : memref<80x50xi32, #tpu.memory_space<vmem>> -> memref<1x50xi32, #tpu.memory_space<vmem>>
          %dma_wait3A_161 = tpu.memref_squeeze %dma_wait3A_160 : memref<1x50xi32, #tpu.memory_space<vmem>> -> memref<50xi32, #tpu.memory_space<vmem>>
          %dma_wait3A_162 = arith.constant 0 : i32
          %dma_wait3A_163 = arith.constant 0 : i32
          %dma_wait3A_164 = tpu.memref_slice %arg3[%dma_wait3A_162, %dma_wait3A_163] : memref<10000x128xf32, #tpu.memory_space<hbm>> -> memref<10000x128xf32, #tpu.memory_space<hbm>>
          tpu.wait_indirect_dma semaphore(%arg20 : memref<!tpu.dma_semaphore, #tpu.memory_space<semaphore_mem>>) src(%dma_wait3A_164 : memref<10000x128xf32, #tpu.memory_space<hbm>>) dst(%arg14 : memref<50x128xf32, #tpu.memory_space<vmem>>)
          %add3A_165 = arith.constant 1 : i32
          %add3A_166 = arith.addi %add3A_132, %add3A_165 : i32
          %dma_start3A_167 = arith.constant 0 : i32
          %dma_start3A_168 = tpu.memref_slice %arg12[%add3A_166, %dma_start3A_167] : memref<80x50xi32, #tpu.memory_space<vmem>> -> memref<1x50xi32, #tpu.memory_space<vmem>>
          %dma_start3A_169 = tpu.memref_squeeze %dma_start3A_168 : memref<1x50xi32, #tpu.memory_space<vmem>> -> memref<50xi32, #tpu.memory_space<vmem>>
          %dma_start3A_170 = arith.constant 0 : i32
          %dma_start3A_171 = arith.constant 0 : i32
          %dma_start3A_172 = tpu.memref_slice %arg9[%dma_start3A_170, %dma_start3A_171] : memref<10000x128xf32, #tpu.memory_space<vmem_shared>> -> memref<10000x128xf32, #tpu.memory_space<vmem_shared>>
          tpu.enqueue_indirect_dma source(%arg14 : memref<50x128xf32, #tpu.memory_space<vmem>>) target(%dma_start3A_172 : memref<10000x128xf32, #tpu.memory_space<vmem_shared>>) offsets(%dma_start3A_169 : memref<50xi32, #tpu.memory_space<vmem>>) semaphore(%arg23 : memref<!tpu.dma_semaphore, #tpu.memory_space<semaphore_mem>>) {add = true}
          %add3A_173 = arith.constant 1 : i32
          %add3A_174 = arith.addi %add3A_132, %add3A_173 : i32
          %dma_wait3A_175 = arith.constant 0 : i32
          %dma_wait3A_176 = tpu.memref_slice %arg12[%add3A_132, %dma_wait3A_175] : memref<80x50xi32, #tpu.memory_space<vmem>> -> memref<1x50xi32, #tpu.memory_space<vmem>>
          %dma_wait3A_177 = tpu.memref_squeeze %dma_wait3A_176 : memref<1x50xi32, #tpu.memory_space<vmem>> -> memref<50xi32, #tpu.memory_space<vmem>>
          %dma_wait3A_178 = arith.constant 0 : i32
          %dma_wait3A_179 = arith.constant 0 : i32
          %dma_wait3A_180 = tpu.memref_slice %arg9[%dma_wait3A_178, %dma_wait3A_179] : memref<10000x128xf32, #tpu.memory_space<vmem_shared>> -> memref<10000x128xf32, #tpu.memory_space<vmem_shared>>
          tpu.wait_indirect_dma semaphore(%arg22 : memref<!tpu.dma_semaphore, #tpu.memory_space<semaphore_mem>>) src(%arg13 : memref<50x128xf32, #tpu.memory_space<vmem>>) dst(%dma_wait3A_180 : memref<10000x128xf32, #tpu.memory_space<vmem_shared>>)
          %add3A_181 = arith.constant 3 : i32
          %add3A_182 = arith.addi %add3A_132, %add3A_181 : i32
          %dma_start3A_183 = arith.constant 0 : i32
          %dma_start3A_184 = tpu.memref_slice %arg11[%add3A_182, %dma_start3A_183] : memref<80x50xi32, #tpu.memory_space<vmem>> -> memref<1x50xi32, #tpu.memory_space<vmem>>
          %dma_start3A_185 = tpu.memref_squeeze %dma_start3A_184 : memref<1x50xi32, #tpu.memory_space<vmem>> -> memref<50xi32, #tpu.memory_space<vmem>>
          %dma_start3A_186 = arith.constant 0 : i32
          %dma_start3A_187 = arith.constant 0 : i32
          %dma_start3A_188 = tpu.memref_slice %arg3[%dma_start3A_186, %dma_start3A_187] : memref<10000x128xf32, #tpu.memory_space<hbm>> -> memref<10000x128xf32, #tpu.memory_space<hbm>>
          tpu.enqueue_indirect_dma source(%dma_start3A_188 : memref<10000x128xf32, #tpu.memory_space<hbm>>) target(%arg13 : memref<50x128xf32, #tpu.memory_space<vmem>>) offsets(%dma_start3A_185 : memref<50xi32, #tpu.memory_space<vmem>>) semaphore(%arg19 : memref<!tpu.dma_semaphore, #tpu.memory_space<semaphore_mem>>)
          %add3A_189 = arith.constant 2 : i32
          %add3A_190 = arith.addi %add3A_132, %add3A_189 : i32
          %dma_wait3A_191 = arith.constant 0 : i32
          %dma_wait3A_192 = tpu.memref_slice %arg11[%add3A_190, %dma_wait3A_191] : memref<80x50xi32, #tpu.memory_space<vmem>> -> memref<1x50xi32, #tpu.memory_space<vmem>>
          %dma_wait3A_193 = tpu.memref_squeeze %dma_wait3A_192 : memref<1x50xi32, #tpu.memory_space<vmem>> -> memref<50xi32, #tpu.memory_space<vmem>>
          %dma_wait3A_194 = arith.constant 0 : i32
          %dma_wait3A_195 = arith.constant 0 : i32
          %dma_wait3A_196 = tpu.memref_slice %arg3[%dma_wait3A_194, %dma_wait3A_195] : memref<10000x128xf32, #tpu.memory_space<hbm>> -> memref<10000x128xf32, #tpu.memory_space<hbm>>
          tpu.wait_indirect_dma semaphore(%arg21 : memref<!tpu.dma_semaphore, #tpu.memory_space<semaphore_mem>>) src(%dma_wait3A_196 : memref<10000x128xf32, #tpu.memory_space<hbm>>) dst(%arg15 : memref<50x128xf32, #tpu.memory_space<vmem>>)
          %add3A_197 = arith.constant 2 : i32
          %add3A_198 = arith.addi %add3A_132, %add3A_197 : i32
          %dma_start3A_199 = arith.constant 0 : i32
          %dma_start3A_200 = tpu.memref_slice %arg12[%add3A_198, %dma_start3A_199] : memref<80x50xi32, #tpu.memory_space<vmem>> -> memref<1x50xi32, #tpu.memory_space<vmem>>
          %dma_start3A_201 = tpu.memref_squeeze %dma_start3A_200 : memref<1x50xi32, #tpu.memory_space<vmem>> -> memref<50xi32, #tpu.memory_space<vmem>>
          %dma_start3A_202 = arith.constant 0 : i32
          %dma_start3A_203 = arith.constant 0 : i32
          %dma_start3A_204 = tpu.memref_slice %arg9[%dma_start3A_202, %dma_start3A_203] : memref<10000x128xf32, #tpu.memory_space<vmem_shared>> -> memref<10000x128xf32, #tpu.memory_space<vmem_shared>>
          tpu.enqueue_indirect_dma source(%arg15 : memref<50x128xf32, #tpu.memory_space<vmem>>) target(%dma_start3A_204 : memref<10000x128xf32, #tpu.memory_space<vmem_shared>>) offsets(%dma_start3A_201 : memref<50xi32, #tpu.memory_space<vmem>>) semaphore(%arg24 : memref<!tpu.dma_semaphore, #tpu.memory_space<semaphore_mem>>) {add = true}
          %add3A_205 = arith.constant 2 : i32
          %add3A_206 = arith.addi %add3A_132, %add3A_205 : i32
          %add3A_207 = arith.constant 1 : i32
          %add3A_208 = arith.addi %add3A_132, %add3A_207 : i32
          %dma_wait3A_209 = arith.constant 0 : i32
          %dma_wait3A_210 = tpu.memref_slice %arg12[%add3A_208, %dma_wait3A_209] : memref<80x50xi32, #tpu.memory_space<vmem>> -> memref<1x50xi32, #tpu.memory_space<vmem>>
          %dma_wait3A_211 = tpu.memref_squeeze %dma_wait3A_210 : memref<1x50xi32, #tpu.memory_space<vmem>> -> memref<50xi32, #tpu.memory_space<vmem>>
          %dma_wait3A_212 = arith.constant 0 : i32
          %dma_wait3A_213 = arith.constant 0 : i32
          %dma_wait3A_214 = tpu.memref_slice %arg9[%dma_wait3A_212, %dma_wait3A_213] : memref<10000x128xf32, #tpu.memory_space<vmem_shared>> -> memref<10000x128xf32, #tpu.memory_space<vmem_shared>>
          tpu.wait_indirect_dma semaphore(%arg23 : memref<!tpu.dma_semaphore, #tpu.memory_space<semaphore_mem>>) src(%arg14 : memref<50x128xf32, #tpu.memory_space<vmem>>) dst(%dma_wait3A_214 : memref<10000x128xf32, #tpu.memory_space<vmem_shared>>)
          %add3A_215 = arith.constant 4 : i32
          %add3A_216 = arith.addi %add3A_132, %add3A_215 : i32
          %dma_start3A_217 = arith.constant 0 : i32
          %dma_start3A_218 = tpu.memref_slice %arg11[%add3A_216, %dma_start3A_217] : memref<80x50xi32, #tpu.memory_space<vmem>> -> memref<1x50xi32, #tpu.memory_space<vmem>>
          %dma_start3A_219 = tpu.memref_squeeze %dma_start3A_218 : memref<1x50xi32, #tpu.memory_space<vmem>> -> memref<50xi32, #tpu.memory_space<vmem>>
          %dma_start3A_220 = arith.constant 0 : i32
          %dma_start3A_221 = arith.constant 0 : i32
          %dma_start3A_222 = tpu.memref_slice %arg3[%dma_start3A_220, %dma_start3A_221] : memref<10000x128xf32, #tpu.memory_space<hbm>> -> memref<10000x128xf32, #tpu.memory_space<hbm>>
          tpu.enqueue_indirect_dma source(%dma_start3A_222 : memref<10000x128xf32, #tpu.memory_space<hbm>>) target(%arg14 : memref<50x128xf32, #tpu.memory_space<vmem>>) offsets(%dma_start3A_219 : memref<50xi32, #tpu.memory_space<vmem>>) semaphore(%arg20 : memref<!tpu.dma_semaphore, #tpu.memory_space<semaphore_mem>>)
        }
        %scan3A_79 = arith.constant 26 : i32
        %dma_wait3A = arith.constant 77 : i32
        %dma_wait3A_80 = arith.constant 0 : i32
        %dma_wait3A_81 = tpu.memref_slice %arg12[%dma_wait3A, %dma_wait3A_80] : memref<80x50xi32, #tpu.memory_space<vmem>> -> memref<1x50xi32, #tpu.memory_space<vmem>>
        %dma_wait3A_82 = tpu.memref_squeeze %dma_wait3A_81 : memref<1x50xi32, #tpu.memory_space<vmem>> -> memref<50xi32, #tpu.memory_space<vmem>>
        %dma_wait3A_83 = arith.constant 0 : i32
        %dma_wait3A_84 = arith.constant 0 : i32
        %dma_wait3A_85 = tpu.memref_slice %arg9[%dma_wait3A_83, %dma_wait3A_84] : memref<10000x128xf32, #tpu.memory_space<vmem_shared>> -> memref<10000x128xf32, #tpu.memory_space<vmem_shared>>
        tpu.wait_indirect_dma semaphore(%arg24 : memref<!tpu.dma_semaphore, #tpu.memory_space<semaphore_mem>>) src(%arg15 : memref<50x128xf32, #tpu.memory_space<vmem>>) dst(%dma_wait3A_85 : memref<10000x128xf32, #tpu.memory_space<vmem_shared>>)
        %dma_wait3A_86 = arith.constant 78 : i32
        %dma_wait3A_87 = arith.constant 0 : i32
        %dma_wait3A_88 = tpu.memref_slice %arg11[%dma_wait3A_86, %dma_wait3A_87] : memref<80x50xi32, #tpu.memory_space<vmem>> -> memref<1x50xi32, #tpu.memory_space<vmem>>
        %dma_wait3A_89 = tpu.memref_squeeze %dma_wait3A_88 : memref<1x50xi32, #tpu.memory_space<vmem>> -> memref<50xi32, #tpu.memory_space<vmem>>
        %dma_wait3A_90 = arith.constant 0 : i32
        %dma_wait3A_91 = arith.constant 0 : i32
        %dma_wait3A_92 = tpu.memref_slice %arg3[%dma_wait3A_90, %dma_wait3A_91] : memref<10000x128xf32, #tpu.memory_space<hbm>> -> memref<10000x128xf32, #tpu.memory_space<hbm>>
        tpu.wait_indirect_dma semaphore(%arg19 : memref<!tpu.dma_semaphore, #tpu.memory_space<semaphore_mem>>) src(%dma_wait3A_92 : memref<10000x128xf32, #tpu.memory_space<hbm>>) dst(%arg13 : memref<50x128xf32, #tpu.memory_space<vmem>>)
        %dma_start3A_93 = arith.constant 78 : i32
        %dma_start3A_94 = arith.constant 0 : i32
        %dma_start3A_95 = tpu.memref_slice %arg12[%dma_start3A_93, %dma_start3A_94] : memref<80x50xi32, #tpu.memory_space<vmem>> -> memref<1x50xi32, #tpu.memory_space<vmem>>
        %dma_start3A_96 = tpu.memref_squeeze %dma_start3A_95 : memref<1x50xi32, #tpu.memory_space<vmem>> -> memref<50xi32, #tpu.memory_space<vmem>>
        %dma_start3A_97 = arith.constant 0 : i32
        %dma_start3A_98 = arith.constant 0 : i32
        %dma_start3A_99 = tpu.memref_slice %arg9[%dma_start3A_97, %dma_start3A_98] : memref<10000x128xf32, #tpu.memory_space<vmem_shared>> -> memref<10000x128xf32, #tpu.memory_space<vmem_shared>>
        tpu.enqueue_indirect_dma source(%arg13 : memref<50x128xf32, #tpu.memory_space<vmem>>) target(%dma_start3A_99 : memref<10000x128xf32, #tpu.memory_space<vmem_shared>>) offsets(%dma_start3A_96 : memref<50xi32, #tpu.memory_space<vmem>>) semaphore(%arg22 : memref<!tpu.dma_semaphore, #tpu.memory_space<semaphore_mem>>) {add = true}
        %dma_wait3A_100 = arith.constant 79 : i32
        %dma_wait3A_101 = arith.constant 0 : i32
        %dma_wait3A_102 = tpu.memref_slice %arg11[%dma_wait3A_100, %dma_wait3A_101] : memref<80x50xi32, #tpu.memory_space<vmem>> -> memref<1x50xi32, #tpu.memory_space<vmem>>
        %dma_wait3A_103 = tpu.memref_squeeze %dma_wait3A_102 : memref<1x50xi32, #tpu.memory_space<vmem>> -> memref<50xi32, #tpu.memory_space<vmem>>
        %dma_wait3A_104 = arith.constant 0 : i32
        %dma_wait3A_105 = arith.constant 0 : i32
        %dma_wait3A_106 = tpu.memref_slice %arg3[%dma_wait3A_104, %dma_wait3A_105] : memref<10000x128xf32, #tpu.memory_space<hbm>> -> memref<10000x128xf32, #tpu.memory_space<hbm>>
        tpu.wait_indirect_dma semaphore(%arg20 : memref<!tpu.dma_semaphore, #tpu.memory_space<semaphore_mem>>) src(%dma_wait3A_106 : memref<10000x128xf32, #tpu.memory_space<hbm>>) dst(%arg14 : memref<50x128xf32, #tpu.memory_space<vmem>>)
        %dma_start3A_107 = arith.constant 79 : i32
        %dma_start3A_108 = arith.constant 0 : i32
        %dma_start3A_109 = tpu.memref_slice %arg12[%dma_start3A_107, %dma_start3A_108] : memref<80x50xi32, #tpu.memory_space<vmem>> -> memref<1x50xi32, #tpu.memory_space<vmem>>
        %dma_start3A_110 = tpu.memref_squeeze %dma_start3A_109 : memref<1x50xi32, #tpu.memory_space<vmem>> -> memref<50xi32, #tpu.memory_space<vmem>>
        %dma_start3A_111 = arith.constant 0 : i32
        %dma_start3A_112 = arith.constant 0 : i32
        %dma_start3A_113 = tpu.memref_slice %arg9[%dma_start3A_111, %dma_start3A_112] : memref<10000x128xf32, #tpu.memory_space<vmem_shared>> -> memref<10000x128xf32, #tpu.memory_space<vmem_shared>>
        tpu.enqueue_indirect_dma source(%arg14 : memref<50x128xf32, #tpu.memory_space<vmem>>) target(%dma_start3A_113 : memref<10000x128xf32, #tpu.memory_space<vmem_shared>>) offsets(%dma_start3A_110 : memref<50xi32, #tpu.memory_space<vmem>>) semaphore(%arg23 : memref<!tpu.dma_semaphore, #tpu.memory_space<semaphore_mem>>) {add = true}
        %dma_wait3A_114 = arith.constant 78 : i32
        %dma_wait3A_115 = arith.constant 0 : i32
        %dma_wait3A_116 = tpu.memref_slice %arg12[%dma_wait3A_114, %dma_wait3A_115] : memref<80x50xi32, #tpu.memory_space<vmem>> -> memref<1x50xi32, #tpu.memory_space<vmem>>
        %dma_wait3A_117 = tpu.memref_squeeze %dma_wait3A_116 : memref<1x50xi32, #tpu.memory_space<vmem>> -> memref<50xi32, #tpu.memory_space<vmem>>
        %dma_wait3A_118 = arith.constant 0 : i32
        %dma_wait3A_119 = arith.constant 0 : i32
        %dma_wait3A_120 = tpu.memref_slice %arg9[%dma_wait3A_118, %dma_wait3A_119] : memref<10000x128xf32, #tpu.memory_space<vmem_shared>> -> memref<10000x128xf32, #tpu.memory_space<vmem_shared>>
        tpu.wait_indirect_dma semaphore(%arg22 : memref<!tpu.dma_semaphore, #tpu.memory_space<semaphore_mem>>) src(%arg13 : memref<50x128xf32, #tpu.memory_space<vmem>>) dst(%dma_wait3A_120 : memref<10000x128xf32, #tpu.memory_space<vmem_shared>>)
        %dma_wait3A_121 = arith.constant 79 : i32
        %dma_wait3A_122 = arith.constant 0 : i32
        %dma_wait3A_123 = tpu.memref_slice %arg12[%dma_wait3A_121, %dma_wait3A_122] : memref<80x50xi32, #tpu.memory_space<vmem>> -> memref<1x50xi32, #tpu.memory_space<vmem>>
        %dma_wait3A_124 = tpu.memref_squeeze %dma_wait3A_123 : memref<1x50xi32, #tpu.memory_space<vmem>> -> memref<50xi32, #tpu.memory_space<vmem>>
        %dma_wait3A_125 = arith.constant 0 : i32
        %dma_wait3A_126 = arith.constant 0 : i32
        %dma_wait3A_127 = tpu.memref_slice %arg9[%dma_wait3A_125, %dma_wait3A_126] : memref<10000x128xf32, #tpu.memory_space<vmem_shared>> -> memref<10000x128xf32, #tpu.memory_space<vmem_shared>>
        tpu.wait_indirect_dma semaphore(%arg23 : memref<!tpu.dma_semaphore, #tpu.memory_space<semaphore_mem>>) src(%arg14 : memref<50x128xf32, #tpu.memory_space<vmem>>) dst(%dma_wait3A_127 : memref<10000x128xf32, #tpu.memory_space<vmem_shared>>)
      } else {
      }
      %barrier3A_49 = arith.constant 0 : index
      tpu.barrier barrier_id(%barrier3A_49)
      %mul3A_50 = arith.constant 625 : i32
      %mul3A_51 = arith.muli %arg1, %mul3A_50 : i32
      %eq3A_52 = arith.constant 0 : i32
      %eq3A_53 = arith.cmpi eq, %arg0, %eq3A_52 : i32
      %convert_element_type3A_54 = arith.extui %eq3A_53 : i1 to i32
      %cond3A_55 = arith.constant 0 : i32
      %cond3A_56 = arith.cmpi ne, %convert_element_type3A_54, %cond3A_55 : i32
      scf.if %cond3A_56 {
        %dma_start3A = arith.constant 0 : i32
        %dma_start3A_62 = arith.constant 0 : i32
        %dma_start3A_63 = tpu.memref_slice %arg6[%add3A_21, %dma_start3A, %dma_start3A_62] : memref<3x10000x128xf32, #tpu.memory_space<hbm>> -> memref<1x10000x128xf32, #tpu.memory_space<hbm>>
        %dma_start3A_64 = tpu.memref_squeeze %dma_start3A_63 : memref<1x10000x128xf32, #tpu.memory_space<hbm>> -> memref<10000x128xf32, #tpu.memory_space<hbm>>
        %dma_start3A_65 = arith.constant 0 : i32
        %dma_start3A_66 = tpu.memref_slice %dma_start3A_64[%mul3A_51, %dma_start3A_65] : memref<10000x128xf32, #tpu.memory_space<hbm>> -> memref<625x128xf32, #tpu.memory_space<hbm>>
        %dma_start3A_67 = arith.constant 0 : i32
        %dma_start3A_68 = tpu.memref_slice %arg9[%mul3A_51, %dma_start3A_67] : memref<10000x128xf32, #tpu.memory_space<vmem_shared>> -> memref<625x128xf32, #tpu.memory_space<vmem_shared>>
        tpu.enqueue_dma source(%dma_start3A_68 : memref<625x128xf32, #tpu.memory_space<vmem_shared>>) target(%dma_start3A_66 : memref<625x128xf32, #tpu.memory_space<hbm>>) target_semaphore(%arg19 : memref<!tpu.dma_semaphore, #tpu.memory_space<semaphore_mem>>)
        %dma_start3A_69 = arith.constant 0 : i32
        %dma_start3A_70 = arith.constant 0 : i32
        %dma_start3A_71 = tpu.memref_slice %arg8[%add3A_21, %dma_start3A_69, %dma_start3A_70] : memref<3x10000x16xf32, #tpu.memory_space<hbm>> -> memref<1x10000x16xf32, #tpu.memory_space<hbm>>
        %dma_start3A_72 = tpu.memref_squeeze %dma_start3A_71 : memref<1x10000x16xf32, #tpu.memory_space<hbm>> -> memref<10000x16xf32, #tpu.memory_space<hbm>>
        %dma_start3A_73 = arith.constant 0 : i32
        %dma_start3A_74 = tpu.memref_slice %dma_start3A_72[%mul3A_51, %dma_start3A_73] : memref<10000x16xf32, #tpu.memory_space<hbm>> -> memref<625x16xf32, #tpu.memory_space<hbm>>
        %dma_start3A_75 = arith.constant 0 : i32
        %dma_start3A_76 = tpu.memref_slice %arg10[%mul3A_51, %dma_start3A_75] : memref<10000x16xf32, #tpu.memory_space<vmem_shared>> -> memref<625x16xf32, #tpu.memory_space<vmem_shared>>
        tpu.enqueue_dma source(%dma_start3A_76 : memref<625x16xf32, #tpu.memory_space<vmem_shared>>) target(%dma_start3A_74 : memref<625x16xf32, #tpu.memory_space<hbm>>) target_semaphore(%arg20 : memref<!tpu.dma_semaphore, #tpu.memory_space<semaphore_mem>>)
        %dma_wait3A = arith.constant 0 : i32
        %dma_wait3A_77 = arith.constant 0 : i32
        %dma_wait3A_78 = tpu.memref_slice %arg6[%add3A_21, %dma_wait3A, %dma_wait3A_77] : memref<3x10000x128xf32, #tpu.memory_space<hbm>> -> memref<1x10000x128xf32, #tpu.memory_space<hbm>>
        %dma_wait3A_79 = tpu.memref_squeeze %dma_wait3A_78 : memref<1x10000x128xf32, #tpu.memory_space<hbm>> -> memref<10000x128xf32, #tpu.memory_space<hbm>>
        %dma_wait3A_80 = arith.constant 0 : i32
        %dma_wait3A_81 = tpu.memref_slice %dma_wait3A_79[%mul3A_51, %dma_wait3A_80] : memref<10000x128xf32, #tpu.memory_space<hbm>> -> memref<625x128xf32, #tpu.memory_space<hbm>>
        %dma_wait3A_82 = arith.constant 0 : i32
        %dma_wait3A_83 = tpu.memref_slice %arg9[%mul3A_51, %dma_wait3A_82] : memref<10000x128xf32, #tpu.memory_space<vmem_shared>> -> memref<625x128xf32, #tpu.memory_space<vmem_shared>>
        tpu.wait_dma2 semaphore(%arg19 : memref<!tpu.dma_semaphore, #tpu.memory_space<semaphore_mem>>) src(%dma_wait3A_83 : memref<625x128xf32, #tpu.memory_space<vmem_shared>>) dst(%dma_wait3A_81 : memref<625x128xf32, #tpu.memory_space<hbm>>)
        %dma_wait3A_84 = arith.constant 0 : i32
        %dma_wait3A_85 = arith.constant 0 : i32
        %dma_wait3A_86 = tpu.memref_slice %arg8[%add3A_21, %dma_wait3A_84, %dma_wait3A_85] : memref<3x10000x16xf32, #tpu.memory_space<hbm>> -> memref<1x10000x16xf32, #tpu.memory_space<hbm>>
        %dma_wait3A_87 = tpu.memref_squeeze %dma_wait3A_86 : memref<1x10000x16xf32, #tpu.memory_space<hbm>> -> memref<10000x16xf32, #tpu.memory_space<hbm>>
        %dma_wait3A_88 = arith.constant 0 : i32
        %dma_wait3A_89 = tpu.memref_slice %dma_wait3A_87[%mul3A_51, %dma_wait3A_88] : memref<10000x16xf32, #tpu.memory_space<hbm>> -> memref<625x16xf32, #tpu.memory_space<hbm>>
        %dma_wait3A_90 = arith.constant 0 : i32
        %dma_wait3A_91 = tpu.memref_slice %arg10[%mul3A_51, %dma_wait3A_90] : memref<10000x16xf32, #tpu.memory_space<vmem_shared>> -> memref<625x16xf32, #tpu.memory_space<vmem_shared>>
        tpu.wait_dma2 semaphore(%arg20 : memref<!tpu.dma_semaphore, #tpu.memory_space<semaphore_mem>>) src(%dma_wait3A_91 : memref<625x16xf32, #tpu.memory_space<vmem_shared>>) dst(%dma_wait3A_89 : memref<625x16xf32, #tpu.memory_space<hbm>>)
      } else {
      }
      %eq3A_57 = arith.constant 1 : i32
      %eq3A_58 = arith.cmpi eq, %arg0, %eq3A_57 : i32
      %convert_element_type3A_59 = arith.extui %eq3A_58 : i1 to i32
      %cond3A_60 = arith.constant 0 : i32
      %cond3A_61 = arith.cmpi ne, %convert_element_type3A_59, %cond3A_60 : i32
      scf.if %cond3A_61 {
        "tpu.region"() ({
          %run_scoped3A = tpu.sem_alloc : memref<!tpu.dma_semaphore, #tpu.memory_space<semaphore_mem>>
          %dma_start3A = arith.constant 0 : i32
          %dma_start3A_62 = arith.constant 0 : i32
          %dma_start3A_63 = tpu.memref_slice %arg7[%add3A_21, %dma_start3A, %dma_start3A_62] : memref<3x10000x128xf32, #tpu.memory_space<hbm>> -> memref<1x10000x128xf32, #tpu.memory_space<hbm>>
          %dma_start3A_64 = tpu.memref_squeeze %dma_start3A_63 : memref<1x10000x128xf32, #tpu.memory_space<hbm>> -> memref<10000x128xf32, #tpu.memory_space<hbm>>
          %dma_start3A_65 = arith.constant 0 : i32
          %dma_start3A_66 = tpu.memref_slice %dma_start3A_64[%mul3A_51, %dma_start3A_65] : memref<10000x128xf32, #tpu.memory_space<hbm>> -> memref<625x128xf32, #tpu.memory_space<hbm>>
          %dma_start3A_67 = arith.constant 0 : i32
          %dma_start3A_68 = tpu.memref_slice %arg9[%mul3A_51, %dma_start3A_67] : memref<10000x128xf32, #tpu.memory_space<vmem_shared>> -> memref<625x128xf32, #tpu.memory_space<vmem_shared>>
          tpu.enqueue_dma source(%dma_start3A_68 : memref<625x128xf32, #tpu.memory_space<vmem_shared>>) target(%dma_start3A_66 : memref<625x128xf32, #tpu.memory_space<hbm>>) target_semaphore(%run_scoped3A : memref<!tpu.dma_semaphore, #tpu.memory_space<semaphore_mem>>)
          %dma_wait3A = arith.constant 0 : i32
          %dma_wait3A_69 = arith.constant 0 : i32
          %dma_wait3A_70 = tpu.memref_slice %arg7[%add3A_21, %dma_wait3A, %dma_wait3A_69] : memref<3x10000x128xf32, #tpu.memory_space<hbm>> -> memref<1x10000x128xf32, #tpu.memory_space<hbm>>
          %dma_wait3A_71 = tpu.memref_squeeze %dma_wait3A_70 : memref<1x10000x128xf32, #tpu.memory_space<hbm>> -> memref<10000x128xf32, #tpu.memory_space<hbm>>
          %dma_wait3A_72 = arith.constant 0 : i32
          %dma_wait3A_73 = tpu.memref_slice %dma_wait3A_71[%mul3A_51, %dma_wait3A_72] : memref<10000x128xf32, #tpu.memory_space<hbm>> -> memref<625x128xf32, #tpu.memory_space<hbm>>
          %dma_wait3A_74 = arith.constant 0 : i32
          %dma_wait3A_75 = tpu.memref_slice %arg9[%mul3A_51, %dma_wait3A_74] : memref<10000x128xf32, #tpu.memory_space<vmem_shared>> -> memref<625x128xf32, #tpu.memory_space<vmem_shared>>
          tpu.wait_dma2 semaphore(%run_scoped3A : memref<!tpu.dma_semaphore, #tpu.memory_space<semaphore_mem>>) src(%dma_wait3A_75 : memref<625x128xf32, #tpu.memory_space<vmem_shared>>) dst(%dma_wait3A_73 : memref<625x128xf32, #tpu.memory_space<hbm>>)
          tpu.yield
        }) : () -> ()
      } else {
      }
    }
    %scan3A_18 = arith.constant 3 : i32
    return
  }
}

</mosaic_0001>

<sc_bundles>
// kernel: _sc_aggregate.3.cloned.1.call-start
scs
__scs_entry_jumppad:
0x0: {  	(pc) =	sbr.rel $0x88, $3  }
0x1: {  	(tag) =	ssettag $0x0;
	lr =	simm.s32 $0x1  }
0x2: {  	[smem:$0x3F9D] =	sst lr;
	_ =	strace $0xD0000000  }
0x3: {  	_ = 	snop  }
0x4: {  	_ = 	snop  }
0x5: {  	_ = 	snop  }
0x6: {  	_ = 	snop  }
0x7: {  	_ = 	snop  }
__scs_overlays_trampoline_lowered:
0x8: {  	[smem:$0x3FAC] =	sst s0  }
0x9: {  	[smem:$0x3FAD] =	sst s1  }
0xa: {  	[smem:$0x3FAE] =	sst s2  }
0xb: {  	[smem:$0x3FAF] =	sst s3  }
0xc: {  	[smem:$0x3FB0] =	sst s4  }
0xd: {  	[smem:$0x3FB1] =	sst s5  }
0xe: {  	[smem:$0x3FB2] =	sst s6  }
0xf: {  	[smem:$0x3FB3] =	sst s7  }
0x10: {  	[smem:$0x3FB4] =	sst s8  }
0x11: {  	[smem:$0x3FB5] =	sst s9;
	s0 =	simm.s32 @!p0 $0x0  }
0x12: {  	s1 =	sld [smem:$0x3F9B];
	s0 =	simm.s32 @p0 $0x1  }
0x13: {  	[smem:$0x3FB6] =	sst s0;
	s0 =	simm.s32 @!p1 $0x0  }
0x14: {  	s2 =	sld [smem:$0x3F9A];
	s0 =	simm.s32 @p1 $0x1  }
0x15: {  	[smem:$0x3FB7] =	sst s0;
	s0 =	simm.s32 @!p2 $0x0  }
0x16: {  	s3 =	sld [smem:$0x3FDB];
	s0 =	simm.s32 @p2 $0x1  }
0x17: {  	s4 =	simm.s32 $0x1BF5;
	[smem:$0x3FB9] =	sst s0  }
0x18: {  	s0 =	sld [smem:$0x3F9C];
	_ =	swait.ge [sflag:s4], $0x0  }
0x19: {  	s7 =	sld [smem:$0x3F9D]  }
0x1a: {  	s8 =	sadd.s32 $0xFFFFE003, lr  }
0x1b: {  	s9 =	sadd.s32 $0xFFFFFEF7, lr;
	s5 =	simm.s32 $0xFFFFFFFF;
	p2 =	slt.u32 s8, $0xFFFFF086  }
0x1c: {  	p1 =	slt.u32 s9, $0xF7A;
	s5 =	simm.s32 @!p2 $0x0  }
0x1d: {  	s5 =	simm.s32 @p1 $0x1;
	p0 =	seq.s32 s7, s2  }
0x1e: {  	s7 =	smul.u32 @!p0 $0xF7A, s2;
	p2 =	seq.s32 @!p0 s5, $0x0  }
0x1f: {  	s9 =	smul.u32 $0xF7A, s1;
	s8 =	simm.s32 @!p0 $0x1BF5;
	p2 =	por !p2, p0  }
0x20: {  	[sflag:s8] =	ssyncset.s32 @!p0 $0xFFFFF086;
	s6 =	sadd.s32 @!p0 s3, s7;
	s7 =	simm.s32 @!p0 $0x108  }
0x21: {  	s3 =	sadd.s32 s3, s9;
	s6 =	sadd.s32 @!p0 $0x88, s6;
	s7 =	simm.s32 @p2 $0x1082  }
0x22: {  	[simem:s7], [sflag:s8] =	dma.local @!p0 [hbm:s6], $0xF7A  }
0x23: {  	s9 =	sor.u32 $0xD0000000, s2;
	s6 =	simm.s32 $0x108;
	_ =	swait.ge @!p0 [sflag:s8], $0x0  }
0x24: {  	s3 =	sadd.s32 $0x88, s3;
	s6 =	simm.s32 @!p1 $0x1082;
	[sflag:s4] =	ssyncset.s32 $0xFFFFF086  }
0x25: {  	[simem:s6], [sflag:s4] =	dma.local [hbm:s3], $0xF7A  }
0x26: {  	[smem:$0x3F9D] =	sst s1;
	(tag) =	ssettag s2;
	_ =	strace s9  }
0x27: {  	s1 =	sld [smem:$0x3FAD]  }
0x28: {  	s2 =	sld [smem:$0x3FAE]  }
0x29: {  	s4 =	sld [smem:$0x3FB0]  }
0x2a: {  	p0 =	seq.s32 s5, $0x0;
	s5 =	sld [smem:$0x3FB1]  }
0x2b: {  	s6 =	sld [smem:$0x3FB2]  }
0x2c: {  	s7 =	sld [smem:$0x3FB3]  }
0x2d: {  	s3 =	simm.s32 $0x108;
	s8 =	sld [smem:$0x3FB4]  }
0x2e: {  	s3 =	simm.s32 @!p0 $0x1082;
	s9 =	sld [smem:$0x3FB5]  }
0x2f: {  	lr =	sadd.s32 s0, s3;
	s0 =	sld [smem:$0x3FAC]  }
0x30: {  	s3 =	sld [smem:$0x3FAF]  }
0x31: {  	[smem:$0x3FB8] =	sst s10  }
0x32: {  	s10 =	sld [smem:$0x3FB6];
	_ =	sdelay $0x3  }
0x33: {  	p0 =	seq.s32 s10, $0x1;
	s10 =	sld [smem:$0x3FB8];
	_ =	sdelay $0x3  }
0x34: {  	[smem:$0x3FB8] =	sst s10  }
0x35: {  	s10 =	sld [smem:$0x3FB7];
	_ =	sdelay $0x3  }
0x36: {  	p1 =	seq.s32 s10, $0x1;
	s10 =	sld [smem:$0x3FB8];
	_ =	sdelay $0x3  }
0x37: {  	[smem:$0x3FB8] =	sst s10  }
0x38: {  	s10 =	sld [smem:$0x3FB9]  }
0x39: {  	_ = 	snop;
	(pc) =	sbr.ind lr, $3  }
0x3a: {  	_ = 	snop  }
0x3b: {  	_ = 	snop  }
0x3c: {  	p2 =	seq.s32 s10, $0x1;
	s10 =	sld [smem:$0x3FB8]  }
0x3d: {  	_ =	shalt  }
0x3e: {  	_ =	shalt  }
0x3f: {  	_ =	shalt  }
0x40: {  	_ =	shalt  }
0x41: {  	_ =	shalt  }
0x42: {  	_ =	shalt  }
0x43: {  	_ =	shalt  }
0x44: {  	_ =	shalt  }
0x45: {  	_ =	shalt  }
0x46: {  	_ =	shalt  }
0x47: {  	_ =	shalt  }
0x48: {  	_ =	shalt  }
0x49: {  	_ =	shalt  }
0x4a: {  	_ =	shalt  }
0x4b: {  	_ =	shalt  }
0x4c: {  	_ =	shalt  }
0x4d: {  	_ =	shalt  }
0x4e: {  	_ =	shalt  }
0x4f: {  	_ =	shalt  }
0x50: {  	_ =	shalt  }
0x51: {  	_ =	shalt  }
0x52: {  	_ =	shalt  }
0x53: {  	_ =	shalt  }
0x54: {  	_ =	shalt  }
0x55: {  	_ =	shalt  }
0x56: {  	_ =	shalt  }
0x57: {  	_ =	shalt  }
0x58: {  	_ =	shalt  }
0x59: {  	_ =	shalt  }
0x5a: {  	_ =	shalt  }
0x5b: {  	_ =	shalt  }
0x5c: {  	_ =	shalt  }
0x5d: {  	_ =	shalt  }
0x5e: {  	_ =	shalt  }
0x5f: {  	_ =	shalt  }
0x60: {  	_ =	shalt  }
0x61: {  	_ =	shalt  }
0x62: {  	_ =	shalt  }
0x63: {  	_ =	shalt  }
0x64: {  	_ =	shalt  }
0x65: {  	_ =	shalt  }
0x66: {  	_ =	shalt  }
0x67: {  	_ =	shalt  }
0x68: {  	_ =	shalt  }
0x69: {  	_ =	shalt  }
0x6a: {  	_ =	shalt  }
0x6b: {  	_ =	shalt  }
0x6c: {  	_ =	shalt  }
0x6d: {  	_ =	shalt  }
0x6e: {  	_ =	shalt  }
0x6f: {  	_ =	shalt  }
0x70: {  	_ =	shalt  }
0x71: {  	_ =	shalt  }
0x72: {  	_ =	shalt  }
0x73: {  	_ =	shalt  }
0x74: {  	_ =	shalt  }
0x75: {  	_ =	shalt  }
0x76: {  	_ =	shalt  }
0x77: {  	_ =	shalt  }
0x78: {  	_ =	shalt  }
0x79: {  	_ =	shalt  }
0x7a: {  	_ =	shalt  }
0x7b: {  	_ =	shalt  }
0x7c: {  	_ =	shalt  }
0x7d: {  	_ =	shalt  }
0x7e: {  	_ =	shalt  }
0x7f: {  	_ =	shalt  }
0x80: {  	_ =	shalt  }
0x81: {  	_ =	shalt  }
0x82: {  	_ =	shalt  }
0x83: {  	_ =	shalt  }
0x84: {  	_ =	shalt  }
0x85: {  	_ =	shalt  }
0x86: {  	_ =	shalt  }
0x87: {  	_ =	shalt  }
.Lfunc_end0:
.L_simem_size_0:
called_computation_lowered:
.L_overlay_start_0:
0x88: {  	s2 =	sld [smem:$0x3FD9]  }
0x89: {  	s3 =	sld [smem:$0x3FFE];
	_ =	sdelay $0x1  }
0x8a: {  	s1 =	srdreg.scid  }
0x8b: {  	s0 =	sand.u32 $0x1, s1  }
0x8c: {  	s14 =	sshll.u32 s0, $0xA;
	s2 =	sadd.s32 s3, s2  }
0x8d: {  	s2 =	sadd.s32 s2, s14  }
0x8e: {  	[smem:$0x3FC4] =	sst s2  }
0x8f: {  	_ = 	snop  }
0x90: {  	s2 =	sld [smem:$0x3FD0];
	_ =	sdelay $0x1  }
0x91: {  	s15 =	sld [smem:$0x3FC9]  }
0x92: {  	s5 =	simm.s32 $0xA;
	s6 =	simm.s32 $0x10;
	s4 =	sld [smem:$0x3FC8]  }
0x93: {  	[smem:s6], [sflag:s5] =	dma.local [hbm:s2], $0x1  }
0x94: {  	_ =	swait.eq [sflag:s5], $0x1  }
0x95: {  	s16 =	sld [smem:$0x10];
	[sflag:s5] =	ssyncset.done $0x0  }
0x96: {  	s17 =	sld [smem:$0x11];
	[sflag:s5] =	ssyncadd.s32 $0xFFFFFFFF  }
0x97: {  	s18 =	sld [smem:$0x12];
	(tm) =	ssettm $0x1  }
0x98: {  	s7 =	sld [smem:$0x3FFB];
	_ =	sdelay $0x3  }
0x99: {  	_ =	strace s7  }
0x9a: {  	s7 =	sld [smem:$0x3FFC];
	_ =	sdelay $0x3  }
0x9b: {  	_ =	strace s7  }
0x9c: {  	s7 =	sld [smem:$0x3FFD];
	_ =	sdelay $0x3  }
0x9d: {  	_ =	strace s7  }
0x9e: {  	_ =	strace $0x8FFFFFFF  }
0x9f: {  	s19 =	sld [smem:$0x3FDB];
	_ =	sdelay $0x1  }
0xa0: {  	s8 =	simm.s32 $_scs_section_size  }
0xa1: {  	s9 =	simm.s32 $_size__tile_overlayer_lowered;
	s10 =	simm.s32 $_tile_overlayer_lowered  }
0xa2: {  	s22 =	simm.s32 $0x1BFF;
	s21 =	sshll.u32 s10, $0x1;
	s7 =	sadd.s32 s8, s19  }
0xa3: {  	s11 =	simm.s32 $0x0;
	s20 =	sshll.u32 s9, $0x1;
	s9 =	sadd.s32 s21, s7  }
0xa4: {  	[timem:s11], [sflag:s22] =	dma.local [hbm:s9], s20  }
0xa5: {  	_ =	swait.ge [sflag:s22], s20  }
0xa6: {  	s8 =	ssub.s32 $0x0, s20;
	[sflag:s22] =	ssyncset.done $0x0  }
0xa7: {  	[sflag:s22] =	ssyncadd.s32 s8;
	_ =	sdelay $0x1  }
0xa8: {  	s23 =	simm.s32 $0x1B8B  }
0xa9: {  	_ =	swait.ge [sflag:s23], $0x1  }
0xaa: {  	[sflag:s23] =	ssyncset.done $0x0  }
0xab: {  	s25 =	simm.s32 $0x1B8E;
	s24 =	sld [smem:$0x3FFE];
	[sflag:s23] =	ssyncadd.s32 $0xFFFFFFFF  }
0xac: {  	s26 =	simm.s32 $execute0_lowered;
	[smem:$0x3FD2] =	sst s25  }
0xad: {  	s9 =	sshll.u32 s26, $0x1;
	_ =	strace $0x80000046;
	[dreg:$0x1] =	wrdreg $0xFFFFFFFF  }
0xae: {  	s28 =	simm.s32 $_size_execute0_lowered;
	s7 =	sadd.s32 s7, s9;
	[dreg:$0x0] =	wrdreg $0x0  }
0xaf: {  	s9 =	sshll.u32 s28, $0x1;
	[dreg:$0x2] =	wrdreg s7  }
0xb0: {  	[dreg:$0x3] =	wrdreg s9  }
0xb1: {  	[dreg:$0x4] =	wrdreg $0xC0  }
0xb2: {  	_ =	task [dreg:s11], $0x5FFFF  }
0xb3: {  	[dreg:$0x1] =	wrdreg $0xFFFFFFFF  }
0xb4: {  	[dreg:$0x0] =	wrdreg $0x60  }
0xb5: {  	[dreg:$0x2] =	wrdreg s15  }
0xb6: {  	[dreg:$0x3] =	wrdreg s4  }
0xb7: {  	[dreg:$0x4] =	wrdreg s24  }
0xb8: {  	[dreg:$0x5] =	wrdreg s16  }
0xb9: {  	[dreg:$0x6] =	wrdreg s17  }
0xba: {  	[dreg:$0x7] =	wrdreg s18  }
0xbb: {  	[dreg:$0x8] =	wrdreg $0x0  }
0xbc: {  	[dreg:$0x9] =	wrdreg $0x138800  }
0xbd: {  	[dreg:$0xa] =	wrdreg $0x9  }
0xbe: {  	_ =	task.clear_ibuf [dreg:s11], $0xBFFFF;
	_ =	strace $0x90000046  }
0xbf: {  	s29 =	simm.s32 $0x9;
	_ =	strace $0x80000048  }
0xc0: {  	_ =	swait.ge [sflag:s29], $0x1  }
0xc1: {  	[sflag:s29] =	ssyncadd.s32 $0xFFFFFFFF  }
0xc2: {  	_ =	strace $0x90000048  }
0xc3: {  	_ =	sfence  }
0xc4: {  	s30 =	sld [smem:$0x0];
	_ =	sdelay $0x2  }
0xc5: {  	s31 =	sshll.u32 s1, $0xD;
	s1 =	sshrl.u32 s1, $0x2  }
0xc6: {  	s3 =	sand.u32 $0x4000, s31;
	s1 =	sadd.s32 s1, s30  }
0xc7: {  	s0 =	sor.u32 s3, s0;
	s1 =	sshll.u32 s1, $0x11  }
0xc8: {  	s0 =	sor.u32 s1, s0  }
0xc9: {  	s0 =	sadd.s32 $0x8F2B, s0  }
0xca: {  	[sflag:s0] =	ssyncadd.remote.s32 $0x1  }
0xcb: {  	_ =	sfence.sel $0xFFFF  }
0xcc: {  	[dreg:$0x0] =	wrdreg $0xFFFFFFFF;
	(pc) =	sbr.abs _section_cstart, $3  }
0xcd: {  	[dreg:$0x1] =	wrdreg $0xFFFFFFFF  }
0xce: {  	_ =	task.clear_ibuf [dreg:s11], $0x2FFFF;
	_ =	strace $0x9FFFFFFF  }
0xcf: {  	(tm) =	ssettm $0x7FFFFFFF  }
tec
execute0_lowered:
.L_overlay_start_1:
0x0: {  	(tag) =	ssettag $0x1  }
0x1: {  	s0 =	rddreg [dreg:$0x0]  }
0x2: {  	s1 =	rddreg [dreg:$0x1]  }
0x3: {  	s2 =	rddreg [dreg:$0x2];
	s12 =	stileid.u32  }
0x4: {  	s6 =	rddreg [dreg:$0x6];
	s5 =	smul.u32 $0x13880, s12  }
0x5: {  	s7 =	rddreg [dreg:$0x7];
	s9 =	smul.u32 $0x2710, s12  }
0x6: {  	s13 =	simm.s32 $0x0;
	s3 =	srdreg.scid;
	s22 =	smul.u32 $0x4E200, s12  }
0x7: {  	[smem:$0x7FF] =	sst s13;
	s3 =	sand.u32 $0x1, s3;
	s23 =	smul.u32 $0x271, s12  }
0x8: {  	s8 =	sadd.s32 $0xA00, s2;
	s2 =	sadd.s32 $0x7400, s2;
	s17 =	smul.u32 $0x9C40, s12  }
0x9: {  	_ =	strace $0x80000047;
	s4 =	ssub.s32 $0x2, s3;
	[dreg:$0x9] =	wrdreg s8  }
0xa: {  	[dreg:$0xa] =	wrdreg s2;
	p0 =	sne.s32 s3, $0x0;
	s20 =	sshrl.u32 s4, $0x1  }
0xb: {  	s10 =	sshrl.u32 s5, $0x3;
	s5 =	sadd.s32 s5, s6;
	s24 =	sshrl.u32 s9, $0x3  }
0xc: {  	s25 =	sadd.s32 s9, s7;
	s26 =	sadd.s32 $0x7D, s23;
	[dreg:$0xb] =	wrdreg s10  }
0xd: {  	s15 =	sadd.s32 $0x177, s23;
	s8 =	sadd.s32 $0x1F4, s23;
	[dreg:$0xc] =	wrdreg s5  }
0xe: {  	s3 =	sshrl.u32 s17, $0x2;
	s21 =	ssub.s32 s4, s20;
	[dreg:$0xd] =	wrdreg s24  }
0xf: {  	s4 =	sshrl.u32 s22, $0x2;
	s9 =	sshll.u32 s26, $0x7;
	s3 =	sadd.s32 s3, s7  }
0x10: {  	s10 =	sadd.s32 $0xFA, s23;
	s24 =	sshrl.u32 s25, $0x3;
	[dreg:$0x13] =	wrdreg s3  }
0x11: {  	s11 =	sshll.u32 s15, $0x7;
	s2 =	smax.u32 s21, $0x1;
	[dreg:$0x18] =	wrdreg s24  }
0x12: {  	s14 =	sadd.s32 s4, s6;
	s4 =	sadd.s32 s9, s6;
	[dreg:$0xe] =	wrdreg s2  }
0x13: {  	s22 =	sshll.u32 s8, $0x4;
	s18 =	sadd.s32 s11, s6;
	[dreg:$0xf] =	wrdreg s4  }
0x14: {  	s25 =	smul.u32 $0x1180, s12;
	s23 =	sadd.s32 s22, s7;
	[dreg:$0x11] =	wrdreg s18  }
0x15: {  	s16 =	sshll.u32 s10, $0x7;
	[dreg:$0x17] =	wrdreg s23  }
0x16: {  	s4 =	sadd.s32 s16, s6;
	[dreg:$0x19] =	wrdreg s25  }
0x17: {  	s2 =	sshll.u32 s26, $0x4;
	s26 =	sadd.s32 $0xC80, s14;
	[dreg:$0x10] =	wrdreg s4  }
0x18: {  	s3 =	sadd.s32 $0x1900, s14;
	[dreg:$0x1a] =	wrdreg s26  }
0x19: {  	s5 =	sadd.s32 $0x3200, s14;
	[dreg:$0x1b] =	wrdreg s3  }
0x1a: {  	s19 =	sshll.u32 s8, $0x7;
	s8 =	sadd.s32 $0x4B00, s14;
	[dreg:$0x1d] =	wrdreg s5  }
0x1b: {  	s9 =	sadd.s32 $0x5780, s14;
	[dreg:$0x1e] =	wrdreg s8  }
0x1c: {  	s20 =	sshll.u32 s10, $0x4;
	s10 =	sadd.s32 $0x6400, s14;
	[dreg:$0x1f] =	wrdreg s9  }
0x1d: {  	s11 =	sadd.s32 $0x7080, s14;
	[smem:$0x7F0] =	sst s10  }
0x1e: {  	s21 =	sshll.u32 s15, $0x4;
	s15 =	sadd.s32 $0x8980, s14;
	[smem:$0x7F1] =	sst s11  }
0x1f: {  	s16 =	sadd.s32 $0x9600, s14;
	[smem:$0x7F2] =	sst s15  }
0x20: {  	s28 =	simm.s32 $0x18290;
	s17 =	sadd.s32 $0xA280, s14;
	[smem:$0x7F3] =	sst s16  }
0x21: {  	s29 =	simm.s32 $0x19B90;
	s18 =	sadd.s32 $0xAF00, s14;
	[smem:$0x7F4] =	sst s17  }
0x22: {  	s30 =	simm.s32 $0x1;
	s22 =	sadd.s32 $0xED80, s14;
	[smem:$0x7F5] =	sst s18  }
0x23: {  	s31 =	simm.s32 $0x1CD90;
	s23 =	sadd.s32 $0x10680, s14;
	[smem:$0x7F9] =	sst s22  }
0x24: {  	s24 =	sadd.s32 $0x11300, s14;
	s25 =	sadd.s32 $0x11F80, s14;
	[smem:$0x7FA] =	sst s23  }
0x25: {  	s4 =	sadd.s32 s19, s6;
	s2 =	sadd.s32 s2, s7;
	[smem:$0x7FB] =	sst s24  }
0x26: {  	s19 =	sadd.s32 $0xC800, s14;
	[smem:$0x7FC] =	sst s25;
	s17 =	smov.u32 s14  }
0x27: {  	s26 =	sadd.s32 $0x12C00, s14;
	s22 =	simm.s32 $0xA;
	s23 =	simm.s32 $0x17110  }
0x28: {  	s24 =	simm.s32 $0x8;
	s25 =	simm.s32 $0x32;
	s15 =	simm.s32 $0x2  }
0x29: {  	s18 =	simm.s32 $0x17148;
	s3 =	simm.s32 $0x4;
	[dreg:$0x12] =	wrdreg s4  }
0x2a: {  	s5 =	simm.s32 $0x5;
	s8 =	simm.s32 $0x6;
	[dreg:$0x14] =	wrdreg s2  }
0x2b: {  	s16 =	simm.s32 $0x18220;
	s10 =	simm.s32 $0x0;
	[smem:$0x7F6] =	sst s19  }
0x2c: {  	s2 =	sadd.s32 s20, s7;
	s4 =	sadd.s32 $0x2580, s14;
	[smem:$0x7FD] =	sst s26  }
.Ltmp0:
0x2d: {  	s20 =	sadd.s32 $0xD480, s14;
	[dreg:$0x15] =	wrdreg s2;
	(pc) =	sbr.rel .LBB2_1-.Ltmp0, $4  }
0x2e: {  	s19 =	simm.s32 $0x17180;
	s2 =	sadd.s32 s21, s7;
	[dreg:$0x1c] =	wrdreg s4  }
0x2f: {  	[smem:$0x7F7] =	sst s20;
	s21 =	sadd.s32 $0xE100, s14;
	s20 =	simm.s32 $0x1D0B0  }
0x30: {  	s4 =	simm.s32 $0x3;
	s14 =	simm.s32 $0x7;
	[dreg:$0x16] =	wrdreg s2  }
0x31: {  	v0 =	vimm.f32 $0.0e+00;
	v1 =	vimm.f32 $1.000000000e+00;
	[smem:$0x7F8] =	sst s21;
	s2 =	simm.s32 $0x1B490;
	s21 =	simm.s32 $0x18258  }
.LBB2_18:
0x32: {  	s10 =	sld [smem:$0x7EF];
	_ =	sdelay $0x2  }
0x33: {  	s9 =	rddreg [dreg:$0xe];
	s10 =	sadd.s32 $0x1, s10  }
0x34: {  	p1 =	sne.s32 s10, s9  }
.Ltmp1:
0x35: {  	_ = 	snop;
	(pc) =	sbr.rel @!p1 .LBB2_19-.Ltmp1, $1  }
0x36: {  	_ =	sdelay $0x3  }
.LBB2_1:
0x37: {  	[smem:$0x7EF] =	sst s10;
	s9 =	simm.s32 $0x40;
	s26 =	simm.s32 $0x0  }
.LBB2_2:
0x38: {  	p1 =	sne.s32 s9, $0x1F00;
	[tilespmem:s26+$0x1DD30] =	vst v0;
	s10 =	smov.u32 s9;
	s9 =	sadd.s32 $0x40, s9  }
.Ltmp2:
0x39: {  	(pc) =	sbr.rel @p1 .LBB2_2-.Ltmp2, $2  }
0x3a: {  	_ =	sdelay $0x2  }
0x3b: {  	s26 =	sshra.s32 s10, $0x2  }
0x3c: {  	[tilespmem:s26+$0x1DD30] =	vst v0;
	s9 =	simm.s32 $0x40;
	s26 =	simm.s32 $0x0  }
.LBB2_4:
0x3d: {  	p1 =	sne.s32 s9, $0xC40;
	[tilespmem:s26+$0x1CD90] =	vst v1;
	s10 =	smov.u32 s9;
	s9 =	sadd.s32 $0x40, s9  }
.Ltmp3:
0x3e: {  	(pc) =	sbr.rel @p1 .LBB2_4-.Ltmp3, $2  }
0x3f: {  	_ =	sdelay $0x2  }
0x40: {  	s26 =	sshra.s32 s10, $0x2  }
0x41: {  	[tilespmem:s26+$0x1CD90] =	vst v1;
	s9 =	simm.s32 $0x0;
	s26 =	simm.s32 $0x200  }
.LBB2_6:
0x42: {  	p1 =	sne.s32 s26, $0x3000;
	[tilespmem:s9+$0x1D120] =	vst v0  }
0x43: {  	[tilespmem:s9+$0x1D0B0] =	vst v0  }
0x44: {  	[tilespmem:s9+$0x1D0C0] =	vst v0  }
.Ltmp4:
0x45: {  	[tilespmem:s9+$0x1D0D0] =	vst v0;
	(pc) =	sbr.rel @p1 .LBB2_6-.Ltmp4, $4  }
0x46: {  	[tilespmem:s9+$0x1D0E0] =	vst v0  }
0x47: {  	[tilespmem:s9+$0x1D0F0] =	vst v0  }
0x48: {  	[tilespmem:s9+$0x1D100] =	vst v0  }
0x49: {  	[tilespmem:s9+$0x1D110] =	vst v0;
	s9 =	sshra.s32 s26, $0x2;
	s26 =	sadd.s32 $0x200, s26  }
0x4a: {  	[tilespmem:s9+$0x1D120] =	vst v0  }
0x4b: {  	[tilespmem:s9+$0x1D0B0] =	vst v0  }
0x4c: {  	[tilespmem:s9+$0x1D0C0] =	vst v0  }
.Ltmp5:
0x4d: {  	[tilespmem:s9+$0x1D0D0] =	vst v0;
	(pc) =	sbr.rel .LBB2_8-.Ltmp5, $4  }
0x4e: {  	[tilespmem:s9+$0x1D0E0] =	vst v0  }
0x4f: {  	[tilespmem:s9+$0x1D0F0] =	vst v0  }
0x50: {  	[tilespmem:s9+$0x1D100] =	vst v0  }
0x51: {  	[tilespmem:s9+$0x1D110] =	vst v0;
	s26 =	simm.s32 $0x0  }
.LBB2_16:
0x52: {  	[tilespmem:s29], [sflag:$0x2] =	stream.indirect.gather [hbm4b:s1+s25], $0x80, s10, s25, $0xb8;
	[tilespmem:$0x1E500] =	vst v63  }
0x53: {  	_ =	swait.ge [sflag:s8], $0x1900  }
0x54: {  	[sflag:s8] =	ssyncset.done $0x0  }
0x55: {  	[sflag:s8] =	ssyncadd.s32 $0xFFFFE700  }
0x56: {  	_ =	swait.ge [sflag:s30], $0x1900  }
0x57: {  	[sflag:s30] =	ssyncset.done $0x0  }
0x58: {  	[sflag:s30] =	ssyncadd.s32 $0xFFFFE700  }
0x59: {  	[spmem:s6] =	stream.indirect.scatter.add.f32 [tilespmem:s28], [sflag:$0x4], $0x80, s16, s25, $0xb8;
	[tilespmem:$0x1E500] =	vst v63  }
0x5a: {  	_ =	swait.ge [sflag:s15], $0x1900  }
0x5b: {  	[sflag:s15] =	ssyncset.done $0x0  }
0x5c: {  	[sflag:s15] =	ssyncadd.s32 $0xFFFFE700  }
0x5d: {  	[spmem:s6] =	stream.indirect.scatter.add.f32 [tilespmem:s29], [sflag:$0x5], $0x80, s21, s25, $0xb8;
	[tilespmem:$0x1E500] =	vst v63  }
0x5e: {  	_ =	swait.ge [sflag:s3], $0x1900  }
0x5f: {  	[sflag:s3] =	ssyncset.done $0x0  }
0x60: {  	[sflag:s3] =	ssyncadd.s32 $0xFFFFE700  }
0x61: {  	_ =	swait.ge [sflag:s5], $0x1900  }
0x62: {  	[sflag:s5] =	ssyncset.done $0x0  }
0x63: {  	[sflag:s5] =	ssyncadd.s32 $0xFFFFE700  }
0x64: {  	s9 =	smul.u32 $0x27100, s26;
	[bflag:$0x0] =	sbarrier.arrive $0xFFFF  }
0x65: {  	s11 =	rddreg [dreg:$0x4]  }
0x66: {  	s9 =	sadd.s32 s11, s9;
	s11 =	rddreg [dreg:$0xb]  }
0x67: {  	s10 =	sshll.u32 s12, $0x6;
	s9 =	sadd.s32 s11, s9;
	s11 =	rddreg [dreg:$0xc]  }
0x68: {  	s10 =	sor.u32 $0x1C09, s10;
	s11 =	sshrl.u32 s11, $0x3  }
0x69: {  	[hbm:s9], [sflag:s10] =	dma.local [spmem:s11], $0x2710  }
0x6a: {  	s11 =	simm.s32 $0x9  }
0x6b: {  	_ =	swait.ge [sflag:s11], $0x2710  }
0x6c: {  	[sflag:s11] =	ssyncset.done $0x0  }
0x6d: {  	[sflag:s11] =	ssyncadd.s32 $0xFFFFD8F0  }
.LBB2_17:
0x6e: {  	s26 =	sadd.s32 $0x1, s26  }
0x6f: {  	p1 =	sne.s32 s26, $0x3  }
.Ltmp6:
0x70: {  	_ = 	snop;
	(pc) =	sbr.rel @!p1 .LBB2_18-.Ltmp6, $1  }
0x71: {  	_ =	sdelay $0x3  }
.LBB2_8:
0x72: {  	[spmem:s17] =	stream.linear.scatter [tilespmem:s20], [sflag:$0x8], $0xC80, $0x38;
	[tilespmem:$0x1E500] =	vst v63  }
0x73: {  	s9 =	rddreg [dreg:$0x1a]  }
0x74: {  	s10 =	rddreg [dreg:$0x1b]  }
0x75: {  	[spmem:s9] =	stream.linear.scatter [tilespmem:s20], [sflag:$0x8], $0xC80, $0x38;
	[tilespmem:$0x1E500] =	vst v63  }
0x76: {  	s11 =	rddreg [dreg:$0x1c]  }
0x77: {  	[spmem:s10] =	stream.linear.scatter [tilespmem:s20], [sflag:$0x8], $0xC80, $0x38;
	[tilespmem:$0x1E500] =	vst v63  }
0x78: {  	s10 =	rddreg [dreg:$0x1d]  }
0x79: {  	[spmem:s11] =	stream.linear.scatter [tilespmem:s20], [sflag:$0x8], $0xC80, $0x38;
	[tilespmem:$0x1E500] =	vst v63  }
0x7a: {  	s11 =	rddreg [dreg:$0xf]  }
0x7b: {  	[spmem:s10] =	stream.linear.scatter [tilespmem:s20], [sflag:$0x8], $0xC80, $0x38;
	[tilespmem:$0x1E500] =	vst v63  }
0x7c: {  	s10 =	rddreg [dreg:$0x1e]  }
0x7d: {  	[spmem:s11] =	stream.linear.scatter [tilespmem:s20], [sflag:$0x8], $0xC80, $0x38;
	[tilespmem:$0x1E500] =	vst v63  }
0x7e: {  	s11 =	rddreg [dreg:$0x1f]  }
0x7f: {  	[spmem:s10] =	stream.linear.scatter [tilespmem:s20], [sflag:$0x8], $0xC80, $0x38;
	[tilespmem:$0x1E500] =	vst v63  }
0x80: {  	s10 =	sld [smem:$0x7F0]  }
0x81: {  	[spmem:s11] =	stream.linear.scatter [tilespmem:s20], [sflag:$0x8], $0xC80, $0x38;
	[tilespmem:$0x1E500] =	vst v63  }
0x82: {  	s11 =	sld [smem:$0x7F1]  }
0x83: {  	[spmem:s10] =	stream.linear.scatter [tilespmem:s20], [sflag:$0x8], $0xC80, $0x38;
	[tilespmem:$0x1E500] =	vst v63  }
0x84: {  	s10 =	rddreg [dreg:$0x10]  }
0x85: {  	[spmem:s11] =	stream.linear.scatter [tilespmem:s20], [sflag:$0x8], $0xC80, $0x38;
	[tilespmem:$0x1E500] =	vst v63  }
0x86: {  	s11 =	sld [smem:$0x7F2]  }
0x87: {  	[spmem:s10] =	stream.linear.scatter [tilespmem:s20], [sflag:$0x8], $0xC80, $0x38;
	[tilespmem:$0x1E500] =	vst v63  }
0x88: {  	s10 =	sld [smem:$0x7F3]  }
0x89: {  	[spmem:s11] =	stream.linear.scatter [tilespmem:s20], [sflag:$0x8], $0xC80, $0x38;
	[tilespmem:$0x1E500] =	vst v63  }
0x8a: {  	s11 =	sld [smem:$0x7F4]  }
0x8b: {  	[spmem:s10] =	stream.linear.scatter [tilespmem:s20], [sflag:$0x8], $0xC80, $0x38;
	[tilespmem:$0x1E500] =	vst v63  }
0x8c: {  	s10 =	sld [smem:$0x7F5]  }
0x8d: {  	[spmem:s11] =	stream.linear.scatter [tilespmem:s20], [sflag:$0x8], $0xC80, $0x38;
	[tilespmem:$0x1E500] =	vst v63  }
0x8e: {  	s11 =	rddreg [dreg:$0x11]  }
0x8f: {  	[spmem:s10] =	stream.linear.scatter [tilespmem:s20], [sflag:$0x8], $0xC80, $0x38;
	[tilespmem:$0x1E500] =	vst v63  }
0x90: {  	s10 =	sld [smem:$0x7F6]  }
0x91: {  	[spmem:s11] =	stream.linear.scatter [tilespmem:s20], [sflag:$0x8], $0xC80, $0x38;
	[tilespmem:$0x1E500] =	vst v63  }
0x92: {  	s11 =	sld [smem:$0x7F7]  }
0x93: {  	[spmem:s10] =	stream.linear.scatter [tilespmem:s20], [sflag:$0x8], $0xC80, $0x38;
	[tilespmem:$0x1E500] =	vst v63  }
0x94: {  	s10 =	sld [smem:$0x7F8]  }
0x95: {  	[spmem:s11] =	stream.linear.scatter [tilespmem:s20], [sflag:$0x8], $0xC80, $0x38;
	[tilespmem:$0x1E500] =	vst v63  }
0x96: {  	s11 =	sld [smem:$0x7F9]  }
0x97: {  	[spmem:s10] =	stream.linear.scatter [tilespmem:s20], [sflag:$0x8], $0xC80, $0x38;
	[tilespmem:$0x1E500] =	vst v63  }
0x98: {  	s10 =	rddreg [dreg:$0x12]  }
0x99: {  	[spmem:s11] =	stream.linear.scatter [tilespmem:s20], [sflag:$0x8], $0xC80, $0x38;
	[tilespmem:$0x1E500] =	vst v63  }
0x9a: {  	s11 =	sld [smem:$0x7FA]  }
0x9b: {  	[spmem:s10] =	stream.linear.scatter [tilespmem:s20], [sflag:$0x8], $0xC80, $0x38;
	[tilespmem:$0x1E500] =	vst v63  }
0x9c: {  	s10 =	sld [smem:$0x7FB]  }
0x9d: {  	[spmem:s11] =	stream.linear.scatter [tilespmem:s20], [sflag:$0x8], $0xC80, $0x38;
	[tilespmem:$0x1E500] =	vst v63  }
0x9e: {  	s11 =	sld [smem:$0x7FC]  }
0x9f: {  	[spmem:s10] =	stream.linear.scatter [tilespmem:s20], [sflag:$0x8], $0xC80, $0x38;
	[tilespmem:$0x1E500] =	vst v63  }
0xa0: {  	s10 =	sld [smem:$0x7FD]  }
0xa1: {  	[spmem:s11] =	stream.linear.scatter [tilespmem:s20], [sflag:$0x8], $0xC80, $0x38;
	[tilespmem:$0x1E500] =	vst v63  }
0xa2: {  	_ = 	snop  }
0xa3: {  	[spmem:s10] =	stream.linear.scatter [tilespmem:s20], [sflag:$0x8], $0xC80, $0x38;
	[tilespmem:$0x1E500] =	vst v63  }
0xa4: {  	s9 =	simm.s32 @!p0 $0x1DD30;
	s10 =	rddreg [dreg:$0x13]  }
0xa5: {  	[spmem:s10] =	stream.linear.scatter @!p0 [tilespmem:s9], [sflag:$0x8], $0x7D0, $0x38;
	[tilespmem:$0x1E500] =	vst v63  }
0xa6: {  	s10 =	rddreg [dreg:$0x14]  }
0xa7: {  	[spmem:s10] =	stream.linear.scatter @!p0 [tilespmem:s9], [sflag:$0x8], $0x7D0, $0x38;
	[tilespmem:$0x1E500] =	vst v63  }
0xa8: {  	s10 =	rddreg [dreg:$0x15]  }
0xa9: {  	[spmem:s10] =	stream.linear.scatter @!p0 [tilespmem:s9], [sflag:$0x8], $0x7D0, $0x38;
	[tilespmem:$0x1E500] =	vst v63  }
0xaa: {  	s10 =	rddreg [dreg:$0x16]  }
0xab: {  	[spmem:s10] =	stream.linear.scatter @!p0 [tilespmem:s9], [sflag:$0x8], $0x7D0, $0x38;
	[tilespmem:$0x1E500] =	vst v63  }
0xac: {  	s11 =	rddreg [dreg:$0x17];
	s10 =	smul.u32 $0x11800, s26  }
0xad: {  	[spmem:s11] =	stream.linear.scatter @!p0 [tilespmem:s9], [sflag:$0x8], $0x7D0, $0x38;
	[tilespmem:$0x1E500] =	vst v63  }
0xae: {  	s11 =	rddreg [dreg:$0x19]  }
0xaf: {  	s9 =	sadd.s32 s11, s10  }
0xb0: {  	s11 =	rddreg [dreg:$0x9];
	s9 =	sshrl.u32 s9, $0x3  }
0xb1: {  	s10 =	sadd.s32 s11, s9;
	s11 =	simm.s32 $0x15F90  }
0xb2: {  	[tilespmem:s11], [sflag:$0xA] =	stream.linear.gather [hbm4b:s10+s13], $0x1180, $0x38;
	[tilespmem:$0x1E500] =	vst v63  }
0xb3: {  	_ =	swait.ge [sflag:s22], $0x1180  }
0xb4: {  	[sflag:s22] =	ssyncset.done $0x0;
	s10 =	rddreg [dreg:$0xa]  }
0xb5: {  	[sflag:s22] =	ssyncadd.s32 $0xFFFFEE80;
	s9 =	sadd.s32 s10, s9  }
0xb6: {  	[tilespmem:s23], [sflag:$0xA] =	stream.linear.gather [hbm4b:s9+s13], $0x1180, $0x38;
	[tilespmem:$0x1E500] =	vst v63  }
0xb7: {  	_ =	swait.ge [sflag:s22], $0x1180  }
0xb8: {  	[sflag:s22] =	ssyncset.done $0x0  }
0xb9: {  	[sflag:s22] =	ssyncadd.s32 $0xFFFFEE80  }
0xba: {  	_ =	swait.ge [sflag:s24], $0xC80  }
0xbb: {  	[sflag:s24] =	ssyncset.done $0x0  }
0xbc: {  	[sflag:s24] =	ssyncadd.s32 $0xFFFFF380  }
0xbd: {  	_ =	swait.ge [sflag:s24], $0xC80  }
0xbe: {  	[sflag:s24] =	ssyncset.done $0x0  }
0xbf: {  	[sflag:s24] =	ssyncadd.s32 $0xFFFFF380  }
0xc0: {  	_ =	swait.ge [sflag:s24], $0xC80  }
0xc1: {  	[sflag:s24] =	ssyncset.done $0x0  }
0xc2: {  	[sflag:s24] =	ssyncadd.s32 $0xFFFFF380  }
0xc3: {  	_ =	swait.ge [sflag:s24], $0xC80  }
0xc4: {  	[sflag:s24] =	ssyncset.done $0x0  }
0xc5: {  	[sflag:s24] =	ssyncadd.s32 $0xFFFFF380  }
0xc6: {  	_ =	swait.ge [sflag:s24], $0xC80  }
0xc7: {  	[sflag:s24] =	ssyncset.done $0x0  }
0xc8: {  	[sflag:s24] =	ssyncadd.s32 $0xFFFFF380  }
0xc9: {  	_ =	swait.ge [sflag:s24], $0xC80  }
0xca: {  	[sflag:s24] =	ssyncset.done $0x0  }
0xcb: {  	[sflag:s24] =	ssyncadd.s32 $0xFFFFF380  }
0xcc: {  	_ =	swait.ge [sflag:s24], $0xC80  }
0xcd: {  	[sflag:s24] =	ssyncset.done $0x0  }
0xce: {  	[sflag:s24] =	ssyncadd.s32 $0xFFFFF380  }
0xcf: {  	_ =	swait.ge [sflag:s24], $0xC80  }
0xd0: {  	[sflag:s24] =	ssyncset.done $0x0  }
0xd1: {  	[sflag:s24] =	ssyncadd.s32 $0xFFFFF380  }
0xd2: {  	_ =	swait.ge [sflag:s24], $0xC80  }
0xd3: {  	[sflag:s24] =	ssyncset.done $0x0  }
0xd4: {  	[sflag:s24] =	ssyncadd.s32 $0xFFFFF380  }
0xd5: {  	_ =	swait.ge [sflag:s24], $0xC80  }
0xd6: {  	[sflag:s24] =	ssyncset.done $0x0  }
0xd7: {  	[sflag:s24] =	ssyncadd.s32 $0xFFFFF380  }
0xd8: {  	_ =	swait.ge [sflag:s24], $0xC80  }
0xd9: {  	[sflag:s24] =	ssyncset.done $0x0  }
0xda: {  	[sflag:s24] =	ssyncadd.s32 $0xFFFFF380  }
0xdb: {  	_ =	swait.ge [sflag:s24], $0xC80  }
0xdc: {  	[sflag:s24] =	ssyncset.done $0x0  }
0xdd: {  	[sflag:s24] =	ssyncadd.s32 $0xFFFFF380  }
0xde: {  	_ =	swait.ge [sflag:s24], $0xC80  }
0xdf: {  	[sflag:s24] =	ssyncset.done $0x0  }
0xe0: {  	[sflag:s24] =	ssyncadd.s32 $0xFFFFF380  }
0xe1: {  	_ =	swait.ge [sflag:s24], $0xC80  }
0xe2: {  	[sflag:s24] =	ssyncset.done $0x0  }
0xe3: {  	[sflag:s24] =	ssyncadd.s32 $0xFFFFF380  }
0xe4: {  	_ =	swait.ge [sflag:s24], $0xC80  }
0xe5: {  	[sflag:s24] =	ssyncset.done $0x0  }
0xe6: {  	[sflag:s24] =	ssyncadd.s32 $0xFFFFF380  }
0xe7: {  	_ =	swait.ge [sflag:s24], $0xC80  }
0xe8: {  	[sflag:s24] =	ssyncset.done $0x0  }
0xe9: {  	[sflag:s24] =	ssyncadd.s32 $0xFFFFF380  }
0xea: {  	_ =	swait.ge [sflag:s24], $0xC80  }
0xeb: {  	[sflag:s24] =	ssyncset.done $0x0  }
0xec: {  	[sflag:s24] =	ssyncadd.s32 $0xFFFFF380  }
0xed: {  	_ =	swait.ge [sflag:s24], $0xC80  }
0xee: {  	[sflag:s24] =	ssyncset.done $0x0  }
0xef: {  	[sflag:s24] =	ssyncadd.s32 $0xFFFFF380  }
0xf0: {  	_ =	swait.ge [sflag:s24], $0xC80  }
0xf1: {  	[sflag:s24] =	ssyncset.done $0x0  }
0xf2: {  	[sflag:s24] =	ssyncadd.s32 $0xFFFFF380  }
0xf3: {  	_ =	swait.ge [sflag:s24], $0xC80  }
0xf4: {  	[sflag:s24] =	ssyncset.done $0x0  }
0xf5: {  	[sflag:s24] =	ssyncadd.s32 $0xFFFFF380  }
0xf6: {  	_ =	swait.ge [sflag:s24], $0xC80  }
0xf7: {  	[sflag:s24] =	ssyncset.done $0x0  }
0xf8: {  	[sflag:s24] =	ssyncadd.s32 $0xFFFFF380  }
0xf9: {  	_ =	swait.ge [sflag:s24], $0xC80  }
0xfa: {  	[sflag:s24] =	ssyncset.done $0x0  }
0xfb: {  	[sflag:s24] =	ssyncadd.s32 $0xFFFFF380  }
0xfc: {  	_ =	swait.ge [sflag:s24], $0xC80  }
0xfd: {  	[sflag:s24] =	ssyncset.done $0x0  }
0xfe: {  	[sflag:s24] =	ssyncadd.s32 $0xFFFFF380  }
0xff: {  	_ =	swait.ge [sflag:s24], $0xC80  }
.Ltmp7:
0x100: {  	[sflag:s24] =	ssyncset.done $0x0;
	(pc) =	sbr.rel @p0 .LBB2_14-.Ltmp7, $4  }
0x101: {  	[sflag:s24] =	ssyncadd.s32 $0xFFFFF380  }
0x102: {  	_ =	swait.ge [sflag:s24], $0xC80  }
0x103: {  	[sflag:s24] =	ssyncset.done $0x0  }
0x104: {  	[sflag:s24] =	ssyncadd.s32 $0xFFFFF380  }
0x105: {  	_ =	swait.ge [sflag:s24], $0x7D0  }
0x106: {  	[sflag:s24] =	ssyncset.done $0x0  }
0x107: {  	[sflag:s24] =	ssyncadd.s32 $0xFFFFF830  }
0x108: {  	_ =	swait.ge [sflag:s24], $0x7D0  }
0x109: {  	[sflag:s24] =	ssyncset.done $0x0  }
0x10a: {  	[sflag:s24] =	ssyncadd.s32 $0xFFFFF830  }
0x10b: {  	_ =	swait.ge [sflag:s24], $0x7D0  }
0x10c: {  	[sflag:s24] =	ssyncset.done $0x0  }
0x10d: {  	[sflag:s24] =	ssyncadd.s32 $0xFFFFF830  }
0x10e: {  	_ =	swait.ge [sflag:s24], $0x7D0  }
0x10f: {  	[sflag:s24] =	ssyncset.done $0x0  }
0x110: {  	[sflag:s24] =	ssyncadd.s32 $0xFFFFF830  }
0x111: {  	_ =	swait.ge [sflag:s24], $0x7D0  }
0x112: {  	[sflag:s24] =	ssyncset.done $0x0  }
0x113: {  	[sflag:s24] =	ssyncadd.s32 $0xFFFFF830  }
0x114: {  	[bflag:$0x0] =	sbarrier.arrive $0xFFFF  }
0x115: {  	[tilespmem:s28], [sflag:$0x1] =	stream.indirect.gather [hbm4b:s0+s25], $0x80, s11, s25, $0xb8;
	[tilespmem:$0x1E500] =	vst v63  }
0x116: {  	s9 =	simm.s32 $0x15FC8  }
0x117: {  	[tilespmem:s29], [sflag:$0x2] =	stream.indirect.gather [hbm4b:s0+s25], $0x80, s9, s25, $0xb8;
	[tilespmem:$0x1E500] =	vst v63  }
0x118: {  	_ =	swait.ge [sflag:s30], $0x1900  }
0x119: {  	[sflag:s30] =	ssyncset.done $0x0  }
0x11a: {  	[sflag:s30] =	ssyncadd.s32 $0xFFFFE700  }
0x11b: {  	[spmem:s6] =	stream.indirect.scatter.add.f32 [tilespmem:s28], [sflag:$0x4], $0x80, s23, s25, $0xb8;
	[tilespmem:$0x1E500] =	vst v63  }
0x11c: {  	_ = 	snop  }
0x11d: {  	[spmem:s7] =	stream.indirect.scatter.add.f32 [tilespmem:s31], [sflag:$0x7], $0x10, s23, s25, $0xb8;
	[tilespmem:$0x1E500] =	vst v63  }
0x11e: {  	s10 =	simm.s32 $0x16000  }
0x11f: {  	[tilespmem:s2], [sflag:$0x3] =	stream.indirect.gather [hbm4b:s0+s25], $0x80, s10, s25, $0xb8;
	[tilespmem:$0x1E500] =	vst v63  }
0x120: {  	_ =	swait.ge [sflag:s15], $0x1900  }
0x121: {  	[sflag:s15] =	ssyncset.done $0x0  }
0x122: {  	s11 =	simm.s32 $0x17148;
	[sflag:s15] =	ssyncadd.s32 $0xFFFFE700  }
0x123: {  	[spmem:s6] =	stream.indirect.scatter.add.f32 [tilespmem:s29], [sflag:$0x5], $0x80, s11, s25, $0xb8;
	[tilespmem:$0x1E500] =	vst v63  }
0x124: {  	_ = 	snop  }
0x125: {  	[spmem:s7] =	stream.indirect.scatter.add.f32 [tilespmem:s31], [sflag:$0x7], $0x10, s11, s25, $0xb8;
	[tilespmem:$0x1E500] =	vst v63  }
0x126: {  	_ =	swait.ge [sflag:s3], $0x1900  }
0x127: {  	[sflag:s3] =	ssyncset.done $0x0  }
0x128: {  	s13 =	simm.s32 $0x16038;
	[sflag:s3] =	ssyncadd.s32 $0xFFFFE700  }
0x129: {  	[tilespmem:s28], [sflag:$0x1] =	stream.indirect.gather [hbm4b:s0+s25], $0x80, s13, s25, $0xb8;
	[tilespmem:$0x1E500] =	vst v63  }
0x12a: {  	_ =	swait.ge [sflag:s4], $0x1900  }
0x12b: {  	[sflag:s4] =	ssyncset.done $0x0  }
0x12c: {  	s16 =	simm.s32 $0x17180;
	[sflag:s4] =	ssyncadd.s32 $0xFFFFE700  }
0x12d: {  	[spmem:s6] =	stream.indirect.scatter.add.f32 [tilespmem:s2], [sflag:$0x6], $0x80, s16, s25, $0xb8;
	[tilespmem:$0x1E500] =	vst v63  }
0x12e: {  	_ = 	snop  }
0x12f: {  	[spmem:s7] =	stream.indirect.scatter.add.f32 [tilespmem:s31], [sflag:$0x7], $0x10, s16, s25, $0xb8;
	[tilespmem:$0x1E500] =	vst v63  }
0x130: {  	_ =	swait.ge [sflag:s5], $0x1900  }
0x131: {  	[sflag:s5] =	ssyncset.done $0x0  }
0x132: {  	s21 =	simm.s32 $0x16070;
	[sflag:s5] =	ssyncadd.s32 $0xFFFFE700  }
0x133: {  	[tilespmem:s29], [sflag:$0x2] =	stream.indirect.gather [hbm4b:s0+s25], $0x80, s21, s25, $0xb8;
	[tilespmem:$0x1E500] =	vst v63  }
0x134: {  	_ =	swait.ge [sflag:s8], $0x1900  }
0x135: {  	[sflag:s8] =	ssyncset.done $0x0  }
0x136: {  	[sflag:s8] =	ssyncadd.s32 $0xFFFFE700  }
0x137: {  	_ =	swait.ge [sflag:s30], $0x1900  }
0x138: {  	[sflag:s30] =	ssyncset.done $0x0  }
0x139: {  	s10 =	simm.s32 $0x171B8;
	[sflag:s30] =	ssyncadd.s32 $0xFFFFE700  }
0x13a: {  	[spmem:s6] =	stream.indirect.scatter.add.f32 [tilespmem:s28], [sflag:$0x4], $0x80, s10, s25, $0xb8;
	[tilespmem:$0x1E500] =	vst v63  }
0x13b: {  	_ = 	snop  }
0x13c: {  	[spmem:s7] =	stream.indirect.scatter.add.f32 [tilespmem:s31], [sflag:$0x7], $0x10, s10, s25, $0xb8;
	[tilespmem:$0x1E500] =	vst v63  }
0x13d: {  	s11 =	simm.s32 $0x160A8  }
0x13e: {  	[tilespmem:s2], [sflag:$0x3] =	stream.indirect.gather [hbm4b:s0+s25], $0x80, s11, s25, $0xb8;
	[tilespmem:$0x1E500] =	vst v63  }
0x13f: {  	_ =	swait.ge [sflag:s15], $0x1900  }
0x140: {  	[sflag:s15] =	ssyncset.done $0x0  }
0x141: {  	s13 =	simm.s32 $0x171F0;
	[sflag:s15] =	ssyncadd.s32 $0xFFFFE700  }
0x142: {  	[spmem:s6] =	stream.indirect.scatter.add.f32 [tilespmem:s29], [sflag:$0x5], $0x80, s13, s25, $0xb8;
	[tilespmem:$0x1E500] =	vst v63  }
0x143: {  	_ = 	snop  }
0x144: {  	[spmem:s7] =	stream.indirect.scatter.add.f32 [tilespmem:s31], [sflag:$0x7], $0x10, s13, s25, $0xb8;
	[tilespmem:$0x1E500] =	vst v63  }
0x145: {  	_ =	swait.ge [sflag:s3], $0x1900  }
0x146: {  	[sflag:s3] =	ssyncset.done $0x0  }
0x147: {  	s16 =	simm.s32 $0x160E0;
	[sflag:s3] =	ssyncadd.s32 $0xFFFFE700  }
0x148: {  	[tilespmem:s28], [sflag:$0x1] =	stream.indirect.gather [hbm4b:s0+s25], $0x80, s16, s25, $0xb8;
	[tilespmem:$0x1E500] =	vst v63  }
0x149: {  	_ =	swait.ge [sflag:s4], $0x1900  }
0x14a: {  	[sflag:s4] =	ssyncset.done $0x0  }
0x14b: {  	s21 =	simm.s32 $0x17228;
	[sflag:s4] =	ssyncadd.s32 $0xFFFFE700  }
0x14c: {  	[spmem:s6] =	stream.indirect.scatter.add.f32 [tilespmem:s2], [sflag:$0x6], $0x80, s21, s25, $0xb8;
	[tilespmem:$0x1E500] =	vst v63  }
0x14d: {  	_ = 	snop  }
0x14e: {  	[spmem:s7] =	stream.indirect.scatter.add.f32 [tilespmem:s31], [sflag:$0x7], $0x10, s21, s25, $0xb8;
	[tilespmem:$0x1E500] =	vst v63  }
0x14f: {  	_ =	swait.ge [sflag:s5], $0x1900  }
0x150: {  	s18 =	simm.s32 $0x17148;
	s19 =	simm.s32 $0x17180;
	[sflag:s5] =	ssyncset.done $0x0  }
0x151: {  	s9 =	simm.s32 $0x2A0;
	s10 =	simm.s32 $0x16118;
	[sflag:s5] =	ssyncadd.s32 $0xFFFFE700  }
.LBB2_10:
0x152: {  	[tilespmem:s29], [sflag:$0x2] =	stream.indirect.gather [hbm4b:s0+s25], $0x80, s10, s25, $0xb8;
	[tilespmem:$0x1E500] =	vst v63  }
0x153: {  	s10 =	smov.u32 s9  }
0x154: {  	p1 =	sne.s32 s9, $0x3F00;
	s9 =	sadd.s32 $0x2A0, s9;
	_ =	swait.ge [sflag:s8], $0x1900  }
0x155: {  	[sflag:s8] =	ssyncset.done $0x0  }
0x156: {  	[sflag:s8] =	ssyncadd.s32 $0xFFFFE700  }
0x157: {  	_ =	swait.ge [sflag:s30], $0x1900  }
0x158: {  	s10 =	sshra.s32 s10, $0x2;
	[sflag:s30] =	ssyncset.done $0x0  }
0x159: {  	s11 =	sadd.s32 $0x171B8, s10;
	[sflag:s30] =	ssyncadd.s32 $0xFFFFE700  }
0x15a: {  	[spmem:s6] =	stream.indirect.scatter.add.f32 [tilespmem:s28], [sflag:$0x4], $0x80, s11, s25, $0xb8;
	[tilespmem:$0x1E500] =	vst v63  }
0x15b: {  	_ = 	snop  }
0x15c: {  	[spmem:s7] =	stream.indirect.scatter.add.f32 [tilespmem:s31], [sflag:$0x7], $0x10, s11, s25, $0xb8;
	[tilespmem:$0x1E500] =	vst v63  }
0x15d: {  	s11 =	sadd.s32 $0x160A8, s10  }
0x15e: {  	[tilespmem:s2], [sflag:$0x3] =	stream.indirect.gather [hbm4b:s0+s25], $0x80, s11, s25, $0xb8;
	[tilespmem:$0x1E500] =	vst v63  }
0x15f: {  	_ =	swait.ge [sflag:s15], $0x1900  }
0x160: {  	[sflag:s15] =	ssyncset.done $0x0  }
0x161: {  	s11 =	sadd.s32 $0x171F0, s10;
	[sflag:s15] =	ssyncadd.s32 $0xFFFFE700  }
0x162: {  	[spmem:s6] =	stream.indirect.scatter.add.f32 [tilespmem:s29], [sflag:$0x5], $0x80, s11, s25, $0xb8;
	[tilespmem:$0x1E500] =	vst v63  }
0x163: {  	_ = 	snop  }
0x164: {  	[spmem:s7] =	stream.indirect.scatter.add.f32 [tilespmem:s31], [sflag:$0x7], $0x10, s11, s25, $0xb8;
	[tilespmem:$0x1E500] =	vst v63  }
0x165: {  	_ =	swait.ge [sflag:s3], $0x1900  }
0x166: {  	[sflag:s3] =	ssyncset.done $0x0  }
0x167: {  	s11 =	sadd.s32 $0x160E0, s10;
	[sflag:s3] =	ssyncadd.s32 $0xFFFFE700  }
0x168: {  	[tilespmem:s28], [sflag:$0x1] =	stream.indirect.gather [hbm4b:s0+s25], $0x80, s11, s25, $0xb8;
	[tilespmem:$0x1E500] =	vst v63  }
0x169: {  	_ =	swait.ge [sflag:s4], $0x1900  }
0x16a: {  	[sflag:s4] =	ssyncset.done $0x0  }
0x16b: {  	s11 =	sadd.s32 $0x17228, s10;
	[sflag:s4] =	ssyncadd.s32 $0xFFFFE700  }
0x16c: {  	[spmem:s6] =	stream.indirect.scatter.add.f32 [tilespmem:s2], [sflag:$0x6], $0x80, s11, s25, $0xb8;
	[tilespmem:$0x1E500] =	vst v63  }
.Ltmp8:
0x16d: {  	(pc) =	sbr.rel @p1 .LBB2_10-.Ltmp8, $4  }
0x16e: {  	[spmem:s7] =	stream.indirect.scatter.add.f32 [tilespmem:s31], [sflag:$0x7], $0x10, s11, s25, $0xb8;
	[tilespmem:$0x1E500] =	vst v63  }
0x16f: {  	_ =	swait.ge [sflag:s5], $0x1900  }
0x170: {  	[sflag:s5] =	ssyncset.done $0x0  }
0x171: {  	s10 =	sadd.s32 $0x16118, s10;
	[sflag:s5] =	ssyncadd.s32 $0xFFFFE700  }
0x172: {  	[tilespmem:s29], [sflag:$0x2] =	stream.indirect.gather [hbm4b:s0+s25], $0x80, s10, s25, $0xb8;
	[tilespmem:$0x1E500] =	vst v63  }
0x173: {  	_ =	swait.ge [sflag:s8], $0x1900  }
0x174: {  	[sflag:s8] =	ssyncset.done $0x0  }
0x175: {  	[sflag:s8] =	ssyncadd.s32 $0xFFFFE700  }
0x176: {  	_ =	swait.ge [sflag:s30], $0x1900  }
0x177: {  	[sflag:s30] =	ssyncset.done $0x0  }
0x178: {  	s9 =	simm.s32 $0x18220;
	[sflag:s30] =	ssyncadd.s32 $0xFFFFE700  }
0x179: {  	[spmem:s6] =	stream.indirect.scatter.add.f32 [tilespmem:s28], [sflag:$0x4], $0x80, s9, s25, $0xb8;
	[tilespmem:$0x1E500] =	vst v63  }
0x17a: {  	_ = 	snop  }
0x17b: {  	[spmem:s7] =	stream.indirect.scatter.add.f32 [tilespmem:s31], [sflag:$0x7], $0x10, s9, s25, $0xb8;
	[tilespmem:$0x1E500] =	vst v63  }
0x17c: {  	_ =	swait.ge [sflag:s15], $0x1900  }
0x17d: {  	[sflag:s15] =	ssyncset.done $0x0  }
0x17e: {  	s13 =	simm.s32 $0x18258;
	[sflag:s15] =	ssyncadd.s32 $0xFFFFE700  }
0x17f: {  	[spmem:s6] =	stream.indirect.scatter.add.f32 [tilespmem:s29], [sflag:$0x5], $0x80, s13, s25, $0xb8;
	[tilespmem:$0x1E500] =	vst v63  }
0x180: {  	_ = 	snop  }
0x181: {  	[spmem:s7] =	stream.indirect.scatter.add.f32 [tilespmem:s31], [sflag:$0x7], $0x10, s13, s25, $0xb8;
	[tilespmem:$0x1E500] =	vst v63  }
0x182: {  	_ =	swait.ge [sflag:s3], $0x1900  }
0x183: {  	[sflag:s3] =	ssyncset.done $0x0  }
0x184: {  	[sflag:s3] =	ssyncadd.s32 $0xFFFFE700  }
0x185: {  	_ =	swait.ge [sflag:s5], $0x1900  }
0x186: {  	[sflag:s5] =	ssyncset.done $0x0  }
0x187: {  	[sflag:s5] =	ssyncadd.s32 $0xFFFFE700  }
0x188: {  	s16 =	simm.s32 $0x18220;
	_ =	swait.ge [sflag:s14], $0x320  }
0x189: {  	s21 =	simm.s32 $0x18258;
	s9 =	simm.s32 $0x4F;
	[sflag:s14] =	ssyncset.done $0x0  }
.LBB2_12:
0x18a: {  	p1 =	seq.s32 s9, $0x1;
	s9 =	sadd.s32 $0xFFFFFFFF, s9;
	[sflag:s14] =	ssyncadd.s32 $0xFFFFFCE0  }
.Ltmp9:
0x18b: {  	(pc) =	sbr.rel @!p1 .LBB2_12-.Ltmp9, $3  }
0x18c: {  	_ =	sdelay $0x1  }
0x18d: {  	_ =	swait.ge [sflag:s14], $0x320  }
0x18e: {  	[sflag:s14] =	ssyncset.done $0x0  }
0x18f: {  	[sflag:s14] =	ssyncadd.s32 $0xFFFFFCE0;
	s9 =	smul.u32 $0x27100, s26  }
0x190: {  	s10 =	rddreg [dreg:$0x3];
	[bflag:$0x0] =	sbarrier.arrive $0xFFFF  }
0x191: {  	s9 =	sadd.s32 s10, s9;
	s11 =	rddreg [dreg:$0xb]  }
0x192: {  	s10 =	sshll.u32 s12, $0x6;
	s13 =	rddreg [dreg:$0xc];
	s9 =	sadd.s32 s11, s9  }
0x193: {  	s11 =	sor.u32 $0x1C01, s10;
	s12 =	sshrl.u32 s13, $0x3;
	s13 =	smul.u32 $0x4E20, s26  }
0x194: {  	[hbm:s9], [sflag:s11] =	dma.local [spmem:s12], $0x2710  }
0x195: {  	s9 =	rddreg [dreg:$0x5]  }
0x196: {  	s11 =	rddreg [dreg:$0xd];
	s9 =	sadd.s32 s9, s13  }
0x197: {  	s10 =	sor.u32 $0x1C02, s10;
	s13 =	rddreg [dreg:$0x18];
	s9 =	sadd.s32 s11, s9  }
0x198: {  	[hbm:s9], [sflag:s10] =	dma.local [spmem:s13], $0x4E2  }
0x199: {  	_ =	swait.ge [sflag:s30], $0x2710  }
.Ltmp10:
0x19a: {  	[sflag:s30] =	ssyncset.done $0x0;
	(pc) =	sbr.rel .LBB2_17-.Ltmp10, $4  }
0x19b: {  	[sflag:s30] =	ssyncadd.s32 $0xFFFFD8F0  }
0x19c: {  	_ =	swait.ge [sflag:s15], $0x4E2  }
0x19d: {  	[sflag:s15] =	ssyncset.done $0x0  }
0x19e: {  	s12 =	stileid.u32;
	s13 =	simm.s32 $0x0;
	[sflag:s15] =	ssyncadd.s32 $0xFFFFFB1E  }
.LBB2_14:
0x19f: {  	[bflag:$0x0] =	sbarrier.arrive $0xFFFF  }
0x1a0: {  	[tilespmem:s28], [sflag:$0x1] =	stream.indirect.gather [hbm4b:s1+s25], $0x80, s11, s25, $0xb8;
	[tilespmem:$0x1E500] =	vst v63  }
0x1a1: {  	s9 =	simm.s32 $0x15FC8  }
0x1a2: {  	[tilespmem:s29], [sflag:$0x2] =	stream.indirect.gather [hbm4b:s1+s25], $0x80, s9, s25, $0xb8;
	[tilespmem:$0x1E500] =	vst v63  }
0x1a3: {  	_ =	swait.ge [sflag:s30], $0x1900  }
0x1a4: {  	[sflag:s30] =	ssyncset.done $0x0  }
0x1a5: {  	[sflag:s30] =	ssyncadd.s32 $0xFFFFE700  }
0x1a6: {  	[spmem:s6] =	stream.indirect.scatter.add.f32 [tilespmem:s28], [sflag:$0x4], $0x80, s23, s25, $0xb8;
	[tilespmem:$0x1E500] =	vst v63  }
0x1a7: {  	s10 =	simm.s32 $0x16000  }
0x1a8: {  	[tilespmem:s2], [sflag:$0x3] =	stream.indirect.gather [hbm4b:s1+s25], $0x80, s10, s25, $0xb8;
	[tilespmem:$0x1E500] =	vst v63  }
0x1a9: {  	_ =	swait.ge [sflag:s15], $0x1900  }
0x1aa: {  	[sflag:s15] =	ssyncset.done $0x0  }
0x1ab: {  	[sflag:s15] =	ssyncadd.s32 $0xFFFFE700  }
0x1ac: {  	[spmem:s6] =	stream.indirect.scatter.add.f32 [tilespmem:s29], [sflag:$0x5], $0x80, s18, s25, $0xb8;
	[tilespmem:$0x1E500] =	vst v63  }
0x1ad: {  	_ =	swait.ge [sflag:s3], $0x1900  }
0x1ae: {  	[sflag:s3] =	ssyncset.done $0x0  }
0x1af: {  	s11 =	simm.s32 $0x16038;
	[sflag:s3] =	ssyncadd.s32 $0xFFFFE700  }
0x1b0: {  	[tilespmem:s28], [sflag:$0x1] =	stream.indirect.gather [hbm4b:s1+s25], $0x80, s11, s25, $0xb8;
	[tilespmem:$0x1E500] =	vst v63  }
0x1b1: {  	_ =	swait.ge [sflag:s4], $0x1900  }
0x1b2: {  	[sflag:s4] =	ssyncset.done $0x0  }
0x1b3: {  	[sflag:s4] =	ssyncadd.s32 $0xFFFFE700  }
0x1b4: {  	[spmem:s6] =	stream.indirect.scatter.add.f32 [tilespmem:s2], [sflag:$0x6], $0x80, s19, s25, $0xb8;
	[tilespmem:$0x1E500] =	vst v63  }
0x1b5: {  	_ =	swait.ge [sflag:s5], $0x1900  }
0x1b6: {  	[sflag:s5] =	ssyncset.done $0x0  }
0x1b7: {  	s10 =	simm.s32 $0x16070;
	[sflag:s5] =	ssyncadd.s32 $0xFFFFE700  }
0x1b8: {  	[tilespmem:s29], [sflag:$0x2] =	stream.indirect.gather [hbm4b:s1+s25], $0x80, s10, s25, $0xb8;
	[tilespmem:$0x1E500] =	vst v63  }
0x1b9: {  	_ =	swait.ge [sflag:s8], $0x1900  }
0x1ba: {  	[sflag:s8] =	ssyncset.done $0x0  }
0x1bb: {  	[sflag:s8] =	ssyncadd.s32 $0xFFFFE700  }
0x1bc: {  	_ =	swait.ge [sflag:s30], $0x1900  }
0x1bd: {  	[sflag:s30] =	ssyncset.done $0x0  }
0x1be: {  	s11 =	simm.s32 $0x171B8;
	[sflag:s30] =	ssyncadd.s32 $0xFFFFE700  }
0x1bf: {  	[spmem:s6] =	stream.indirect.scatter.add.f32 [tilespmem:s28], [sflag:$0x4], $0x80, s11, s25, $0xb8;
	[tilespmem:$0x1E500] =	vst v63  }
0x1c0: {  	s10 =	simm.s32 $0x160A8  }
0x1c1: {  	[tilespmem:s2], [sflag:$0x3] =	stream.indirect.gather [hbm4b:s1+s25], $0x80, s10, s25, $0xb8;
	[tilespmem:$0x1E500] =	vst v63  }
0x1c2: {  	_ =	swait.ge [sflag:s15], $0x1900  }
0x1c3: {  	[sflag:s15] =	ssyncset.done $0x0  }
0x1c4: {  	s11 =	simm.s32 $0x171F0;
	[sflag:s15] =	ssyncadd.s32 $0xFFFFE700  }
0x1c5: {  	[spmem:s6] =	stream.indirect.scatter.add.f32 [tilespmem:s29], [sflag:$0x5], $0x80, s11, s25, $0xb8;
	[tilespmem:$0x1E500] =	vst v63  }
0x1c6: {  	_ =	swait.ge [sflag:s3], $0x1900  }
0x1c7: {  	[sflag:s3] =	ssyncset.done $0x0  }
0x1c8: {  	s10 =	simm.s32 $0x160E0;
	[sflag:s3] =	ssyncadd.s32 $0xFFFFE700  }
0x1c9: {  	[tilespmem:s28], [sflag:$0x1] =	stream.indirect.gather [hbm4b:s1+s25], $0x80, s10, s25, $0xb8;
	[tilespmem:$0x1E500] =	vst v63  }
0x1ca: {  	_ =	swait.ge [sflag:s4], $0x1900  }
0x1cb: {  	[sflag:s4] =	ssyncset.done $0x0  }
0x1cc: {  	s11 =	simm.s32 $0x17228;
	[sflag:s4] =	ssyncadd.s32 $0xFFFFE700  }
0x1cd: {  	[spmem:s6] =	stream.indirect.scatter.add.f32 [tilespmem:s2], [sflag:$0x6], $0x80, s11, s25, $0xb8;
	[tilespmem:$0x1E500] =	vst v63  }
0x1ce: {  	_ =	swait.ge [sflag:s5], $0x1900  }
0x1cf: {  	[sflag:s5] =	ssyncset.done $0x0  }
0x1d0: {  	s9 =	simm.s32 $0x2A0;
	s10 =	simm.s32 $0x16118;
	[sflag:s5] =	ssyncadd.s32 $0xFFFFE700  }
.LBB2_15:
0x1d1: {  	[tilespmem:s29], [sflag:$0x2] =	stream.indirect.gather [hbm4b:s1+s25], $0x80, s10, s25, $0xb8;
	[tilespmem:$0x1E500] =	vst v63  }
0x1d2: {  	s10 =	smov.u32 s9  }
0x1d3: {  	p1 =	sne.s32 s9, $0x3F00;
	s9 =	sadd.s32 $0x2A0, s9;
	_ =	swait.ge [sflag:s8], $0x1900  }
0x1d4: {  	[sflag:s8] =	ssyncset.done $0x0  }
0x1d5: {  	[sflag:s8] =	ssyncadd.s32 $0xFFFFE700  }
0x1d6: {  	_ =	swait.ge [sflag:s30], $0x1900  }
0x1d7: {  	s10 =	sshra.s32 s10, $0x2;
	[sflag:s30] =	ssyncset.done $0x0  }
0x1d8: {  	s11 =	sadd.s32 $0x171B8, s10;
	[sflag:s30] =	ssyncadd.s32 $0xFFFFE700  }
0x1d9: {  	[spmem:s6] =	stream.indirect.scatter.add.f32 [tilespmem:s28], [sflag:$0x4], $0x80, s11, s25, $0xb8;
	[tilespmem:$0x1E500] =	vst v63  }
0x1da: {  	s11 =	sadd.s32 $0x160A8, s10  }
0x1db: {  	[tilespmem:s2], [sflag:$0x3] =	stream.indirect.gather [hbm4b:s1+s25], $0x80, s11, s25, $0xb8;
	[tilespmem:$0x1E500] =	vst v63  }
0x1dc: {  	_ =	swait.ge [sflag:s15], $0x1900  }
0x1dd: {  	[sflag:s15] =	ssyncset.done $0x0  }
0x1de: {  	s11 =	sadd.s32 $0x171F0, s10;
	[sflag:s15] =	ssyncadd.s32 $0xFFFFE700  }
0x1df: {  	[spmem:s6] =	stream.indirect.scatter.add.f32 [tilespmem:s29], [sflag:$0x5], $0x80, s11, s25, $0xb8;
	[tilespmem:$0x1E500] =	vst v63  }
0x1e0: {  	_ =	swait.ge [sflag:s3], $0x1900  }
0x1e1: {  	[sflag:s3] =	ssyncset.done $0x0  }
0x1e2: {  	s11 =	sadd.s32 $0x160E0, s10;
	[sflag:s3] =	ssyncadd.s32 $0xFFFFE700  }
0x1e3: {  	[tilespmem:s28], [sflag:$0x1] =	stream.indirect.gather [hbm4b:s1+s25], $0x80, s11, s25, $0xb8;
	[tilespmem:$0x1E500] =	vst v63  }
0x1e4: {  	_ =	swait.ge [sflag:s4], $0x1900  }
0x1e5: {  	[sflag:s4] =	ssyncset.done $0x0  }
.Ltmp11:
0x1e6: {  	s11 =	sadd.s32 $0x17228, s10;
	[sflag:s4] =	ssyncadd.s32 $0xFFFFE700;
	(pc) =	sbr.rel @p1 .LBB2_15-.Ltmp11, $4  }
0x1e7: {  	[spmem:s6] =	stream.indirect.scatter.add.f32 [tilespmem:s2], [sflag:$0x6], $0x80, s11, s25, $0xb8;
	[tilespmem:$0x1E500] =	vst v63  }
0x1e8: {  	_ =	swait.ge [sflag:s5], $0x1900  }
0x1e9: {  	[sflag:s5] =	ssyncset.done $0x0  }
0x1ea: {  	s10 =	sadd.s32 $0x16118, s10;
	[sflag:s5] =	ssyncadd.s32 $0xFFFFE700  }
.Ltmp12:
0x1eb: {  	_ = 	snop;
	(pc) =	sbr.rel .LBB2_16-.Ltmp12, $1  }
0x1ec: {  	_ =	sdelay $0x3  }
.LBB2_19:
0x1ed: {  	_ =	sfence.sel $0x180000  }
0x1ee: {  	[bflag:$0x0] =	sbarrier.arrive $0xFFFF  }
0x1ef: {  	_ =	strace $0x90000047  }
0x1f0: {  	[bflag:$0x2] =	sbarrier.arrive $0xFFFF  }
0x1f1: {  	p0 =	sne.s32 s12, $0x0;
	s0 =	rddreg [dreg:$0x8]  }
0x1f2: {  	s0 =	sadd.s32 @!p0 $0x100000, s0  }
0x1f3: {  	[sflag:s0] =	ssyncadd.tile.s32 @!p0 $0x1;
	_ =	shalt  }
.Lfunc_end2:
_tile_overlayer_lowered:
.L_overlay_start_2:
0x1f4: {  	(tag) =	ssettag $0x2  }
0x1f5: {  	s0 =	rddreg [dreg:$0x0];
	s2 =	stileid.u32  }
0x1f6: {  	s1 =	rddreg [dreg:$0x1];
	p0 =	sne.s32 s2, $0x0  }
0x1f7: {  	s3 =	rddreg [dreg:$0x2];
	[bflag:$0x3] =	sbarrier.arrive $0xFFFF;
	s2 =	simm.s32 @!p0 $0x1C09  }
0x1f8: {  	[timem:s3], [sflag:s2] =	dma.local @!p0 [hbm:s0], s1  }
0x1f9: {  	s0 =	simm.s32 @!p0 $0x9  }
0x1fa: {  	_ =	swait.ge @!p0 [sflag:s0], s1  }
0x1fb: {  	s1 =	ssub.s32 @!p0 $0x0, s1;
	[sflag:s0] =	ssyncset.done @!p0 $0x0  }
0x1fc: {  	[sflag:s0] =	ssyncadd.s32 @!p0 s1  }
0x1fd: {  	[bflag:$0x3] =	sbarrier.arrive $0xFFFF  }
0x1fe: {  	_ =	shalt  }

</sc_bundles>
